<compile_context>
chip_gen: v7x
topology: tpu7x:2x2x1
jax: 0.10.2.dev20260603
libtpu: 0.0.44.dev20260713+nightly
codegen_flags: <defaults>
</compile_context>

<pallas_src>
import functools

import jax
import jax.numpy as jnp
from jax import lax
from jax.experimental import pallas as pl
from jax.experimental.pallas import tpu as pltpu
from jax.experimental.pallas import tpu_sc as plsc

N = 10000
D = 128
E = 320000
EPS = 1e-5

NC = 2
NS = 16
NW = NC * NS
LANES = 16

NP = 10240
RPT = NP // NS
K = 80
EPT = E // NW
NCHUNK = EPT // K
ZCH = 128

_MESH = dict(core_axis_name="c", subcore_axis_name="s")



def _sc_degrees(idx2):

    @functools.partial(
        pl.kernel,
        out_type=jax.ShapeDtypeStruct((2, NW, N), jnp.float32),
        mesh=plsc.VectorSubcoreMesh(**_MESH),
        compiler_params=pltpu.CompilerParams(needs_layout_passes=False),
        scratch_types=[
            pltpu.VMEM((EPT,), jnp.int32),
            pltpu.VMEM((N,), jnp.float32),
        ],
    )
    def deg_kernel(idx_hbm, out_hbm, idx_v, deg_v):
        c = lax.axis_index("c")
        s = lax.axis_index("s")
        wid = c * NS + s
        ones = jnp.ones((LANES,), jnp.float32)
        zeros = jnp.zeros((LANES,), jnp.float32)
        U = 5
        for which in range(2):
            pltpu.sync_copy(idx_hbm.at[which, wid], idx_v)

            def zbody(i, _):
                for u in range(U):
                    deg_v[pl.ds((i * U + u) * LANES, LANES)] = zeros
                return 0

            lax.fori_loop(0, N // LANES // U, zbody, 0)

            def abody(i, _):
                for u in range(U):
                    idx = idx_v[pl.ds((i * U + u) * LANES, LANES)]
                    plsc.addupdate_scatter(deg_v, [idx], ones)
                return 0

            lax.fori_loop(0, EPT // LANES // U, abody, 0)
            pltpu.sync_copy(deg_v, out_hbm.at[which, wid])

    return deg_kernel(idx2)


def _sc_aggregate(y, srcc, dstc):

    @functools.partial(
        pl.kernel,
        out_type=jax.ShapeDtypeStruct((NC, NP, D), jnp.float32),
        mesh=plsc.VectorSubcoreMesh(**_MESH),
        compiler_params=pltpu.CompilerParams(needs_layout_passes=False),
        scratch_types=[
            pltpu.VMEM((EPT,), jnp.int32),
            pltpu.VMEM((NCHUNK, K), jnp.int32),
            pltpu.VMEM((K, D), jnp.float32),
            pltpu.VMEM((K, D), jnp.float32),
            pltpu.VMEM_SHARED((NP, D), jnp.float32),
            pltpu.SemaphoreType.DMA,
            pltpu.SemaphoreType.DMA,
        ],
    )
    def agg_kernel(y_hbm, src_hbm, dst_hbm, out_hbm,
                   src_v, dst_v, buf0, buf1, acc, sem0, sem1):
        c = lax.axis_index("c")
        s = lax.axis_index("s")
        wid = c * NS + s

        pltpu.async_copy(src_hbm.at[wid], src_v, sem0)
        pltpu.async_copy(dst_hbm.at[wid], dst_v, sem1)

        zeros = jnp.zeros((LANES,), jnp.float32)

        def zb(i, _):
            for j in range(D // LANES):
                buf0[i, pl.ds(j * LANES, LANES)] = zeros
            return 0

        lax.fori_loop(0, K, zb, 0)

        for z in range(RPT // K):
            pltpu.sync_copy(buf0, acc.at[pl.ds(s * RPT + z * K, K)])
        pltpu.make_async_copy(src_hbm.at[wid], src_v, sem0).wait()
        pltpu.make_async_copy(dst_hbm.at[wid], dst_v, sem1).wait()
        plsc.subcore_barrier()

        bufs = (buf0, buf1)
        sems = (sem0, sem1)
        pltpu.async_copy(y_hbm.at[src_v.at[pl.ds(0, K)]], buf0, sem0)

        def body(j, _):
            for b in range(2):
                jj = j * 2 + b
                nxt = jj + 1
                @pl.when(nxt < NCHUNK)
                def _():
                    pltpu.async_copy(
                        y_hbm.at[src_v.at[pl.ds(nxt * K, K)]],
                        bufs[(b + 1) % 2], sems[(b + 1) % 2])
                pltpu.make_async_copy(
                    y_hbm.at[src_v.at[pl.ds(jj * K, K)]], bufs[b],
                    sems[b]).wait()
                pltpu.sync_copy(bufs[b], acc.at[dst_v.at[jj]], add=True)
            return 0

        lax.fori_loop(0, NCHUNK // 2, body, 0)
        if NCHUNK % 2:
            jj = NCHUNK - 1
            pltpu.make_async_copy(
                y_hbm.at[src_v.at[pl.ds(jj * K, K)]], bufs[jj % 2],
                sems[jj % 2]).wait()
            pltpu.sync_copy(bufs[jj % 2], acc.at[dst_v.at[jj]], add=True)

        plsc.subcore_barrier()
        for z in range(RPT // ZCH):
            rows = pl.ds(s * RPT + z * ZCH, ZCH)
            pltpu.sync_copy(acc.at[rows], out_hbm.at[c, rows])

    return agg_kernel(y, srcc, dstc)



def _tc_mm_body(x_ref, w_ref, xw_ref):
    xw_ref[...] = jnp.dot(x_ref[...], w_ref[...],
                          preferred_element_type=jnp.float32)


def _tc_mm(x, W1):
    return pl.pallas_call(
        _tc_mm_body,
        out_shape=jax.ShapeDtypeStruct((N, D), jnp.float32),
    )(x, W1)


def _pad_rows(y):
    return jnp.concatenate(
        [y, jnp.zeros((NP - N, D), jnp.float32)], axis=0)


def _tc_scale_body(degp_ref, xw_ref, y_ref, ns_ref, nd_ref):
    deg = jnp.sum(degp_ref[...], axis=1)
    ns = lax.rsqrt(jnp.maximum(deg[0], 1.0))
    nd = lax.rsqrt(jnp.maximum(deg[1], 1.0))
    ns_ref[...] = ns[None, :]
    nd_ref[...] = nd[None, :]
    y_ref[...] = _pad_rows(xw_ref[...] * ns[:, None])


def _tc_scale(degp, xw):
    return pl.pallas_call(
        _tc_scale_body,
        out_shape=(
            jax.ShapeDtypeStruct((NP, D), jnp.float32),
            jax.ShapeDtypeStruct((1, N), jnp.float32),
            jax.ShapeDtypeStruct((1, N), jnp.float32),
        ),
    )(degp, xw)


def _tc_mid_body(p_ref, nd_ref, b1_ref, g_ref, be_ref, w2_ref, ns_ref,
                 y2_ref):
    p = p_ref[...]
    h = (p[0, :N] + p[1, :N]) * nd_ref[0][:, None] + b1_ref[0][None, :]
    mean = jnp.mean(h, axis=0)
    cent = h - mean[None, :]
    var = jnp.mean(cent * cent, axis=0)
    hb = cent * lax.rsqrt(var + EPS)[None, :] * g_ref[0][None, :] \
        + be_ref[0][None, :]
    r = jnp.maximum(hb, 0.0)
    rw = jnp.dot(r, w2_ref[...], preferred_element_type=jnp.float32)
    y2_ref[...] = _pad_rows(rw * ns_ref[0][:, None])


def _tc_mid(p, nd, b1, gamma, beta, W2, ns):
    return pl.pallas_call(
        _tc_mid_body,
        out_shape=jax.ShapeDtypeStruct((NP, D), jnp.float32),
    )(p, nd, b1, gamma, beta, W2, ns)


def _tc_out_body(p_ref, nd_ref, b2_ref, o_ref):
    p = p_ref[...]
    o_ref[...] = (p[0, :N] + p[1, :N]) * nd_ref[0][:, None] \
        + b2_ref[0][None, :]


def _tc_out(p, nd, b2):
    return pl.pallas_call(
        _tc_out_body,
        out_shape=jax.ShapeDtypeStruct((N, D), jnp.float32),
    )(p, nd, b2)



@jax.jit
def _run(x, edge_index, W1, b1, gamma, beta, W2, b2):
    src = edge_index[0].astype(jnp.int32)
    dst = edge_index[1].astype(jnp.int32)

    idx2 = jnp.stack([src, dst]).reshape(2, NW, EPT)
    srcc = src.reshape(NW, EPT)
    dstc = dst.reshape(NW, NCHUNK, K)

    degp = _sc_degrees(idx2)
    xw = _tc_mm(x, W1)
    y1, ns, nd = _tc_scale(degp, xw)
    p1 = _sc_aggregate(y1, srcc, dstc)
    y2 = _tc_mid(p1, nd, b1.reshape(1, D), gamma.reshape(1, D),
                 beta.reshape(1, D), W2, ns)
    p2 = _sc_aggregate(y2, srcc, dstc)
    return _tc_out(p2, nd, b2.reshape(1, D))


def kernel(x, edge_index, W1, b1, gamma, beta, W2, b2):
    return _run(x, edge_index, W1, b1, gamma, beta, W2, b2)

# --- scband reference (transcript-rebuilt; emitter-appended) ---
"""Pipeline reference for scband-gcnn-14233521619311 (READ-ONLY COPY).

The authoritative reference and input builder live on the scoring server;
editing this copy changes nothing except your own understanding.
"""

import jax, jax.numpy as jnp
import numpy as np

N_NODES = 10000
D_IN = 128
D_HID = 128
D_OUT = 128
N_EDGES = 320000
EPS = 1e-5


def _gcn_layer(x, src, dst, W, b, n):
    # DGL GraphConv with norm='both': D_out^{-1/2} A D_in^{-1/2} X W + b
    deg_out = jnp.zeros((n,), dtype=x.dtype).at[src].add(1.0)
    deg_in = jnp.zeros((n,), dtype=x.dtype).at[dst].add(1.0)
    norm_src = jax.lax.rsqrt(jnp.maximum(deg_out, 1.0))
    norm_dst = jax.lax.rsqrt(jnp.maximum(deg_in, 1.0))
    h = x * norm_src[:, None]
    msgs = jnp.take(h, src, axis=0)
    agg = jnp.zeros_like(h).at[dst].add(msgs)
    h = agg * norm_dst[:, None]
    return h @ W + b


def setup_inputs(seed: int = 0) -> dict:
    key = jax.random.key(seed)
    k1, k2, k3, k4 = jax.random.split(key, 4)
    x = jax.random.normal(k1, (N_NODES, D_IN), dtype=jnp.float32)
    edge_index = jax.random.randint(k2, (2, N_EDGES), 0, N_NODES, dtype=jnp.int64)
    scale1 = 1.0 / np.sqrt(D_IN)
    scale2 = 1.0 / np.sqrt(D_HID)
    W1 = jax.random.normal(k3, (D_IN, D_HID), dtype=jnp.float32) * scale1
    b1 = jnp.zeros((D_HID,), dtype=jnp.float32)
    gamma = jnp.ones((D_HID,), dtype=jnp.float32)
    beta = jnp.zeros((D_HID,), dtype=jnp.float32)
    W2 = jax.random.normal(k4, (D_HID, D_OUT), dtype=jnp.float32) * scale2
    b2 = jnp.zeros((D_OUT,), dtype=jnp.float32)
    return {"x": x, "edge_index": edge_index, "W1": W1, "b1": b1,
            "gamma": gamma, "beta": beta, "W2": W2, "b2": b2}


def reference(x, edge_index, W1, b1, gamma, beta, W2, b2):
    src = edge_index[0]
    dst = edge_index[1]
    n = x.shape[0]
    # layer1
    h = _gcn_layer(x, src, dst, W1, b1, n)
    # BatchNorm1d (training-mode batch statistics, biased variance)
    mean = jnp.mean(h, axis=0)
    var = jnp.mean((h - mean) ** 2, axis=0)
    h = (h - mean) * jax.lax.rsqrt(var + EPS) * gamma + beta
    # ReLU (dropout p=0.0 is identity)
    h = jax.nn.relu(h)
    # layer2
    h = _gcn_layer(h, src, dst, W2, b2, n)
    return h

if __name__ == "__main__":
    import jax
    _d = setup_inputs()
    print(jax.jit(kernel)(*tuple(_d.values())))

</pallas_src>

<mosaic_0001>
#map = affine_map<(d0, d1) -> (0, 0, 0)>
module attributes {stable_mosaic.version = 14 : i64} {
  func.func @deg_kernel(%arg0: i32, %arg1: i32, %arg2: memref<2x32x10000xi32, #tpu.memory_space<hbm>>, %arg3: memref<2x32x10000xf32, #tpu.memory_space<hbm>>, %arg4: memref<10000xi32, #tpu.memory_space<vmem>>, %arg5: memref<10000xf32, #tpu.memory_space<vmem>>) attributes {dimension_semantics = [#tpu.dimension_semantics<core_parallel>, #tpu.dimension_semantics<subcore_parallel>], iteration_bounds = array<i64: 2, 16>, scalar_prefetch = 0 : i64, scratch_operands = 2 : i64, tpu.core_type = #tpu.core_type<sc_vector_subcore>, window_params = [{transform_indices = #map}, {transform_indices = #map}]} {
    %mul3A = arith.constant 16 : i32
    %mul3A_0 = arith.muli %arg0, %mul3A : i32
    %add3A = arith.addi %mul3A_0, %arg1 : i32
    %broadcast_in_dim3A = arith.constant 1.000000e+00 : f32
    %broadcast_in_dim3A_1 = vector.broadcast %broadcast_in_dim3A : f32 to vector<16xf32>
    %broadcast_in_dim3A_2 = arith.constant 0.000000e+00 : f32
    %broadcast_in_dim3A_3 = vector.broadcast %broadcast_in_dim3A_2 : f32 to vector<16xf32>
    %run_scoped3A = arith.constant 0 : i32
    "tpu.region"() ({
      %run_scoped3A_34 = tpu.sem_alloc : memref<!tpu.dma_semaphore, #tpu.memory_space<semaphore_mem>>
      %dma_start3A = arith.constant 0 : i32
      %dma_start3A_35 = tpu.memref_slice %arg2[%run_scoped3A, %add3A, %dma_start3A] : memref<2x32x10000xi32, #tpu.memory_space<hbm>> -> memref<1x1x10000xi32, #tpu.memory_space<hbm>>
      %dma_start3A_36 = tpu.memref_squeeze %dma_start3A_35 : memref<1x1x10000xi32, #tpu.memory_space<hbm>> -> memref<10000xi32, #tpu.memory_space<hbm>>
      %dma_start3A_37 = arith.constant 0 : i32
      %dma_start3A_38 = tpu.memref_slice %arg2[%run_scoped3A, %add3A, %dma_start3A_37] : memref<2x32x10000xi32, #tpu.memory_space<hbm>> -> memref<1x1x10000xi32, #tpu.memory_space<hbm>>
      %dma_start3A_39 = tpu.memref_squeeze %dma_start3A_38 : memref<1x1x10000xi32, #tpu.memory_space<hbm>> -> memref<10000xi32, #tpu.memory_space<hbm>>
      tpu.enqueue_dma source(%dma_start3A_39 : memref<10000xi32, #tpu.memory_space<hbm>>) target(%arg4 : memref<10000xi32, #tpu.memory_space<vmem>>) target_semaphore(%run_scoped3A_34 : memref<!tpu.dma_semaphore, #tpu.memory_space<semaphore_mem>>)
      %dma_wait3A = arith.constant 0 : i32
      %dma_wait3A_40 = tpu.memref_slice %arg2[%run_scoped3A, %add3A, %dma_wait3A] : memref<2x32x10000xi32, #tpu.memory_space<hbm>> -> memref<1x1x10000xi32, #tpu.memory_space<hbm>>
      %dma_wait3A_41 = tpu.memref_squeeze %dma_wait3A_40 : memref<1x1x10000xi32, #tpu.memory_space<hbm>> -> memref<10000xi32, #tpu.memory_space<hbm>>
      %dma_wait3A_42 = arith.constant 0 : i32
      %dma_wait3A_43 = tpu.memref_slice %arg2[%run_scoped3A, %add3A, %dma_wait3A_42] : memref<2x32x10000xi32, #tpu.memory_space<hbm>> -> memref<1x1x10000xi32, #tpu.memory_space<hbm>>
      %dma_wait3A_44 = tpu.memref_squeeze %dma_wait3A_43 : memref<1x1x10000xi32, #tpu.memory_space<hbm>> -> memref<10000xi32, #tpu.memory_space<hbm>>
      tpu.wait_dma2 semaphore(%run_scoped3A_34 : memref<!tpu.dma_semaphore, #tpu.memory_space<semaphore_mem>>) src(%dma_wait3A_44 : memref<10000xi32, #tpu.memory_space<hbm>>) dst(%arg4 : memref<10000xi32, #tpu.memory_space<vmem>>)
      tpu.yield
    }) : () -> ()
    %scan3A = arith.constant 0 : i32
    %scan3A_4 = arith.constant 0 : i32
    %scan3A_5 = arith.constant 125 : i32
    %scan3A_6 = arith.addi %scan3A_4, %scan3A_5 : i32
    %scan3A_7 = arith.constant 1 : i32
    %scan3A_8 = scf.for %scan3A_34 = %scan3A_4 to %scan3A_6 step %scan3A_7 iter_args(%scan3A_35 = %scan3A) -> (i32)  : i32 {
      %mul3A_36 = arith.constant 5 : i32
      %mul3A_37 = arith.muli %scan3A_34, %mul3A_36 : i32
      %add3A_38 = arith.constant 0 : i32
      %add3A_39 = arith.addi %mul3A_37, %add3A_38 : i32
      %mul3A_40 = arith.constant 16 : i32
      %mul3A_41 = arith.muli %add3A_39, %mul3A_40 : i32
      %swap3A = arith.index_cast %mul3A_41 : i32 to index
      %swap3A_42 = tpu.vector_load %arg5[%swap3A] {strides = array<i32>} : memref<10000xf32, #tpu.memory_space<vmem>>, vector<16xf32>,
      tpu.vector_store %arg5[%swap3A], %broadcast_in_dim3A_3 {strides = array<i32>} : memref<10000xf32, #tpu.memory_space<vmem>>, vector<16xf32>,
      %mul3A_43 = arith.constant 5 : i32
      %mul3A_44 = arith.muli %scan3A_34, %mul3A_43 : i32
      %add3A_45 = arith.constant 1 : i32
      %add3A_46 = arith.addi %mul3A_44, %add3A_45 : i32
      %mul3A_47 = arith.constant 16 : i32
      %mul3A_48 = arith.muli %add3A_46, %mul3A_47 : i32
      %swap3A_49 = arith.index_cast %mul3A_48 : i32 to index
      %swap3A_50 = tpu.vector_load %arg5[%swap3A_49] {strides = array<i32>} : memref<10000xf32, #tpu.memory_space<vmem>>, vector<16xf32>,
      tpu.vector_store %arg5[%swap3A_49], %broadcast_in_dim3A_3 {strides = array<i32>} : memref<10000xf32, #tpu.memory_space<vmem>>, vector<16xf32>,
      %mul3A_51 = arith.constant 5 : i32
      %mul3A_52 = arith.muli %scan3A_34, %mul3A_51 : i32
      %add3A_53 = arith.constant 2 : i32
      %add3A_54 = arith.addi %mul3A_52, %add3A_53 : i32
      %mul3A_55 = arith.constant 16 : i32
      %mul3A_56 = arith.muli %add3A_54, %mul3A_55 : i32
      %swap3A_57 = arith.index_cast %mul3A_56 : i32 to index
      %swap3A_58 = tpu.vector_load %arg5[%swap3A_57] {strides = array<i32>} : memref<10000xf32, #tpu.memory_space<vmem>>, vector<16xf32>,
      tpu.vector_store %arg5[%swap3A_57], %broadcast_in_dim3A_3 {strides = array<i32>} : memref<10000xf32, #tpu.memory_space<vmem>>, vector<16xf32>,
      %mul3A_59 = arith.constant 5 : i32
      %mul3A_60 = arith.muli %scan3A_34, %mul3A_59 : i32
      %add3A_61 = arith.constant 3 : i32
      %add3A_62 = arith.addi %mul3A_60, %add3A_61 : i32
      %mul3A_63 = arith.constant 16 : i32
      %mul3A_64 = arith.muli %add3A_62, %mul3A_63 : i32
      %swap3A_65 = arith.index_cast %mul3A_64 : i32 to index
      %swap3A_66 = tpu.vector_load %arg5[%swap3A_65] {strides = array<i32>} : memref<10000xf32, #tpu.memory_space<vmem>>, vector<16xf32>,
      tpu.vector_store %arg5[%swap3A_65], %broadcast_in_dim3A_3 {strides = array<i32>} : memref<10000xf32, #tpu.memory_space<vmem>>, vector<16xf32>,
      %mul3A_67 = arith.constant 5 : i32
      %mul3A_68 = arith.muli %scan3A_34, %mul3A_67 : i32
      %add3A_69 = arith.constant 4 : i32
      %add3A_70 = arith.addi %mul3A_68, %add3A_69 : i32
      %mul3A_71 = arith.constant 16 : i32
      %mul3A_72 = arith.muli %add3A_70, %mul3A_71 : i32
      %swap3A_73 = arith.index_cast %mul3A_72 : i32 to index
      %swap3A_74 = tpu.vector_load %arg5[%swap3A_73] {strides = array<i32>} : memref<10000xf32, #tpu.memory_space<vmem>>, vector<16xf32>,
      tpu.vector_store %arg5[%swap3A_73], %broadcast_in_dim3A_3 {strides = array<i32>} : memref<10000xf32, #tpu.memory_space<vmem>>, vector<16xf32>,
      %scan3A_75 = arith.constant 0 : i32
      scf.yield %scan3A_75 : i32
    }
    %scan3A_9 = arith.constant 125 : i32
    %scan3A_10 = arith.constant 0 : i32
    %scan3A_11 = arith.constant 0 : i32
    %scan3A_12 = arith.constant 125 : i32
    %scan3A_13 = arith.addi %scan3A_11, %scan3A_12 : i32
    %scan3A_14 = arith.constant 1 : i32
    %scan3A_15 = scf.for %scan3A_34 = %scan3A_11 to %scan3A_13 step %scan3A_14 iter_args(%scan3A_35 = %scan3A_10) -> (i32)  : i32 {
      %mul3A_36 = arith.constant 5 : i32
      %mul3A_37 = arith.muli %scan3A_34, %mul3A_36 : i32
      %add3A_38 = arith.constant 0 : i32
      %add3A_39 = arith.addi %mul3A_37, %add3A_38 : i32
      %mul3A_40 = arith.constant 16 : i32
      %mul3A_41 = arith.muli %add3A_39, %mul3A_40 : i32
      %get3A = arith.index_cast %mul3A_41 : i32 to index
      %get3A_42 = tpu.vector_load %arg4[%get3A] {strides = array<i32>} : memref<10000xi32, #tpu.memory_space<vmem>>, vector<16xi32>,
      tpu.vector_store_idx %arg5[%get3A_42], %broadcast_in_dim3A_1 {add = true} : memref<10000xf32, #tpu.memory_space<vmem>>[vector<16xi32>], vector<16xf32>,
      %mul3A_43 = arith.constant 5 : i32
      %mul3A_44 = arith.muli %scan3A_34, %mul3A_43 : i32
      %add3A_45 = arith.constant 1 : i32
      %add3A_46 = arith.addi %mul3A_44, %add3A_45 : i32
      %mul3A_47 = arith.constant 16 : i32
      %mul3A_48 = arith.muli %add3A_46, %mul3A_47 : i32
      %get3A_49 = arith.index_cast %mul3A_48 : i32 to index
      %get3A_50 = tpu.vector_load %arg4[%get3A_49] {strides = array<i32>} : memref<10000xi32, #tpu.memory_space<vmem>>, vector<16xi32>,
      tpu.vector_store_idx %arg5[%get3A_50], %broadcast_in_dim3A_1 {add = true} : memref<10000xf32, #tpu.memory_space<vmem>>[vector<16xi32>], vector<16xf32>,
      %mul3A_51 = arith.constant 5 : i32
      %mul3A_52 = arith.muli %scan3A_34, %mul3A_51 : i32
      %add3A_53 = arith.constant 2 : i32
      %add3A_54 = arith.addi %mul3A_52, %add3A_53 : i32
      %mul3A_55 = arith.constant 16 : i32
      %mul3A_56 = arith.muli %add3A_54, %mul3A_55 : i32
      %get3A_57 = arith.index_cast %mul3A_56 : i32 to index
      %get3A_58 = tpu.vector_load %arg4[%get3A_57] {strides = array<i32>} : memref<10000xi32, #tpu.memory_space<vmem>>, vector<16xi32>,
      tpu.vector_store_idx %arg5[%get3A_58], %broadcast_in_dim3A_1 {add = true} : memref<10000xf32, #tpu.memory_space<vmem>>[vector<16xi32>], vector<16xf32>,
      %mul3A_59 = arith.constant 5 : i32
      %mul3A_60 = arith.muli %scan3A_34, %mul3A_59 : i32
      %add3A_61 = arith.constant 3 : i32
      %add3A_62 = arith.addi %mul3A_60, %add3A_61 : i32
      %mul3A_63 = arith.constant 16 : i32
      %mul3A_64 = arith.muli %add3A_62, %mul3A_63 : i32
      %get3A_65 = arith.index_cast %mul3A_64 : i32 to index
      %get3A_66 = tpu.vector_load %arg4[%get3A_65] {strides = array<i32>} : memref<10000xi32, #tpu.memory_space<vmem>>, vector<16xi32>,
      tpu.vector_store_idx %arg5[%get3A_66], %broadcast_in_dim3A_1 {add = true} : memref<10000xf32, #tpu.memory_space<vmem>>[vector<16xi32>], vector<16xf32>,
      %mul3A_67 = arith.constant 5 : i32
      %mul3A_68 = arith.muli %scan3A_34, %mul3A_67 : i32
      %add3A_69 = arith.constant 4 : i32
      %add3A_70 = arith.addi %mul3A_68, %add3A_69 : i32
      %mul3A_71 = arith.constant 16 : i32
      %mul3A_72 = arith.muli %add3A_70, %mul3A_71 : i32
      %get3A_73 = arith.index_cast %mul3A_72 : i32 to index
      %get3A_74 = tpu.vector_load %arg4[%get3A_73] {strides = array<i32>} : memref<10000xi32, #tpu.memory_space<vmem>>, vector<16xi32>,
      tpu.vector_store_idx %arg5[%get3A_74], %broadcast_in_dim3A_1 {add = true} : memref<10000xf32, #tpu.memory_space<vmem>>[vector<16xi32>], vector<16xf32>,
      %scan3A_75 = arith.constant 0 : i32
      scf.yield %scan3A_75 : i32
    }
    %scan3A_16 = arith.constant 125 : i32
    %run_scoped3A_17 = arith.constant 0 : i32
    "tpu.region"() ({
      %run_scoped3A_34 = tpu.sem_alloc : memref<!tpu.dma_semaphore, #tpu.memory_space<semaphore_mem>>
      %dma_start3A = arith.constant 0 : i32
      %dma_start3A_35 = tpu.memref_slice %arg3[%run_scoped3A_17, %add3A, %dma_start3A] : memref<2x32x10000xf32, #tpu.memory_space<hbm>> -> memref<1x1x10000xf32, #tpu.memory_space<hbm>>
      %dma_start3A_36 = tpu.memref_squeeze %dma_start3A_35 : memref<1x1x10000xf32, #tpu.memory_space<hbm>> -> memref<10000xf32, #tpu.memory_space<hbm>>
      %dma_start3A_37 = arith.constant 0 : i32
      %dma_start3A_38 = tpu.memref_slice %arg3[%run_scoped3A_17, %add3A, %dma_start3A_37] : memref<2x32x10000xf32, #tpu.memory_space<hbm>> -> memref<1x1x10000xf32, #tpu.memory_space<hbm>>
      %dma_start3A_39 = tpu.memref_squeeze %dma_start3A_38 : memref<1x1x10000xf32, #tpu.memory_space<hbm>> -> memref<10000xf32, #tpu.memory_space<hbm>>
      tpu.enqueue_dma source(%arg5 : memref<10000xf32, #tpu.memory_space<vmem>>) target(%dma_start3A_39 : memref<10000xf32, #tpu.memory_space<hbm>>) target_semaphore(%run_scoped3A_34 : memref<!tpu.dma_semaphore, #tpu.memory_space<semaphore_mem>>)
      %dma_wait3A = arith.constant 0 : i32
      %dma_wait3A_40 = tpu.memref_slice %arg3[%run_scoped3A_17, %add3A, %dma_wait3A] : memref<2x32x10000xf32, #tpu.memory_space<hbm>> -> memref<1x1x10000xf32, #tpu.memory_space<hbm>>
      %dma_wait3A_41 = tpu.memref_squeeze %dma_wait3A_40 : memref<1x1x10000xf32, #tpu.memory_space<hbm>> -> memref<10000xf32, #tpu.memory_space<hbm>>
      %dma_wait3A_42 = arith.constant 0 : i32
      %dma_wait3A_43 = tpu.memref_slice %arg3[%run_scoped3A_17, %add3A, %dma_wait3A_42] : memref<2x32x10000xf32, #tpu.memory_space<hbm>> -> memref<1x1x10000xf32, #tpu.memory_space<hbm>>
      %dma_wait3A_44 = tpu.memref_squeeze %dma_wait3A_43 : memref<1x1x10000xf32, #tpu.memory_space<hbm>> -> memref<10000xf32, #tpu.memory_space<hbm>>
      tpu.wait_dma2 semaphore(%run_scoped3A_34 : memref<!tpu.dma_semaphore, #tpu.memory_space<semaphore_mem>>) src(%arg5 : memref<10000xf32, #tpu.memory_space<vmem>>) dst(%dma_wait3A_44 : memref<10000xf32, #tpu.memory_space<hbm>>)
      tpu.yield
    }) : () -> ()
    %run_scoped3A_18 = arith.constant 1 : i32
    "tpu.region"() ({
      %run_scoped3A_34 = tpu.sem_alloc : memref<!tpu.dma_semaphore, #tpu.memory_space<semaphore_mem>>
      %dma_start3A = arith.constant 0 : i32
      %dma_start3A_35 = tpu.memref_slice %arg2[%run_scoped3A_18, %add3A, %dma_start3A] : memref<2x32x10000xi32, #tpu.memory_space<hbm>> -> memref<1x1x10000xi32, #tpu.memory_space<hbm>>
      %dma_start3A_36 = tpu.memref_squeeze %dma_start3A_35 : memref<1x1x10000xi32, #tpu.memory_space<hbm>> -> memref<10000xi32, #tpu.memory_space<hbm>>
      %dma_start3A_37 = arith.constant 0 : i32
      %dma_start3A_38 = tpu.memref_slice %arg2[%run_scoped3A_18, %add3A, %dma_start3A_37] : memref<2x32x10000xi32, #tpu.memory_space<hbm>> -> memref<1x1x10000xi32, #tpu.memory_space<hbm>>
      %dma_start3A_39 = tpu.memref_squeeze %dma_start3A_38 : memref<1x1x10000xi32, #tpu.memory_space<hbm>> -> memref<10000xi32, #tpu.memory_space<hbm>>
      tpu.enqueue_dma source(%dma_start3A_39 : memref<10000xi32, #tpu.memory_space<hbm>>) target(%arg4 : memref<10000xi32, #tpu.memory_space<vmem>>) target_semaphore(%run_scoped3A_34 : memref<!tpu.dma_semaphore, #tpu.memory_space<semaphore_mem>>)
      %dma_wait3A = arith.constant 0 : i32
      %dma_wait3A_40 = tpu.memref_slice %arg2[%run_scoped3A_18, %add3A, %dma_wait3A] : memref<2x32x10000xi32, #tpu.memory_space<hbm>> -> memref<1x1x10000xi32, #tpu.memory_space<hbm>>
      %dma_wait3A_41 = tpu.memref_squeeze %dma_wait3A_40 : memref<1x1x10000xi32, #tpu.memory_space<hbm>> -> memref<10000xi32, #tpu.memory_space<hbm>>
      %dma_wait3A_42 = arith.constant 0 : i32
      %dma_wait3A_43 = tpu.memref_slice %arg2[%run_scoped3A_18, %add3A, %dma_wait3A_42] : memref<2x32x10000xi32, #tpu.memory_space<hbm>> -> memref<1x1x10000xi32, #tpu.memory_space<hbm>>
      %dma_wait3A_44 = tpu.memref_squeeze %dma_wait3A_43 : memref<1x1x10000xi32, #tpu.memory_space<hbm>> -> memref<10000xi32, #tpu.memory_space<hbm>>
      tpu.wait_dma2 semaphore(%run_scoped3A_34 : memref<!tpu.dma_semaphore, #tpu.memory_space<semaphore_mem>>) src(%dma_wait3A_44 : memref<10000xi32, #tpu.memory_space<hbm>>) dst(%arg4 : memref<10000xi32, #tpu.memory_space<vmem>>)
      tpu.yield
    }) : () -> ()
    %scan3A_19 = arith.constant 0 : i32
    %scan3A_20 = arith.constant 0 : i32
    %scan3A_21 = arith.constant 125 : i32
    %scan3A_22 = arith.addi %scan3A_20, %scan3A_21 : i32
    %scan3A_23 = arith.constant 1 : i32
    %scan3A_24 = scf.for %scan3A_34 = %scan3A_20 to %scan3A_22 step %scan3A_23 iter_args(%scan3A_35 = %scan3A_19) -> (i32)  : i32 {
      %mul3A_36 = arith.constant 5 : i32
      %mul3A_37 = arith.muli %scan3A_34, %mul3A_36 : i32
      %add3A_38 = arith.constant 0 : i32
      %add3A_39 = arith.addi %mul3A_37, %add3A_38 : i32
      %mul3A_40 = arith.constant 16 : i32
      %mul3A_41 = arith.muli %add3A_39, %mul3A_40 : i32
      %swap3A = arith.index_cast %mul3A_41 : i32 to index
      %swap3A_42 = tpu.vector_load %arg5[%swap3A] {strides = array<i32>} : memref<10000xf32, #tpu.memory_space<vmem>>, vector<16xf32>,
      tpu.vector_store %arg5[%swap3A], %broadcast_in_dim3A_3 {strides = array<i32>} : memref<10000xf32, #tpu.memory_space<vmem>>, vector<16xf32>,
      %mul3A_43 = arith.constant 5 : i32
      %mul3A_44 = arith.muli %scan3A_34, %mul3A_43 : i32
      %add3A_45 = arith.constant 1 : i32
      %add3A_46 = arith.addi %mul3A_44, %add3A_45 : i32
      %mul3A_47 = arith.constant 16 : i32
      %mul3A_48 = arith.muli %add3A_46, %mul3A_47 : i32
      %swap3A_49 = arith.index_cast %mul3A_48 : i32 to index
      %swap3A_50 = tpu.vector_load %arg5[%swap3A_49] {strides = array<i32>} : memref<10000xf32, #tpu.memory_space<vmem>>, vector<16xf32>,
      tpu.vector_store %arg5[%swap3A_49], %broadcast_in_dim3A_3 {strides = array<i32>} : memref<10000xf32, #tpu.memory_space<vmem>>, vector<16xf32>,
      %mul3A_51 = arith.constant 5 : i32
      %mul3A_52 = arith.muli %scan3A_34, %mul3A_51 : i32
      %add3A_53 = arith.constant 2 : i32
      %add3A_54 = arith.addi %mul3A_52, %add3A_53 : i32
      %mul3A_55 = arith.constant 16 : i32
      %mul3A_56 = arith.muli %add3A_54, %mul3A_55 : i32
      %swap3A_57 = arith.index_cast %mul3A_56 : i32 to index
      %swap3A_58 = tpu.vector_load %arg5[%swap3A_57] {strides = array<i32>} : memref<10000xf32, #tpu.memory_space<vmem>>, vector<16xf32>,
      tpu.vector_store %arg5[%swap3A_57], %broadcast_in_dim3A_3 {strides = array<i32>} : memref<10000xf32, #tpu.memory_space<vmem>>, vector<16xf32>,
      %mul3A_59 = arith.constant 5 : i32
      %mul3A_60 = arith.muli %scan3A_34, %mul3A_59 : i32
      %add3A_61 = arith.constant 3 : i32
      %add3A_62 = arith.addi %mul3A_60, %add3A_61 : i32
      %mul3A_63 = arith.constant 16 : i32
      %mul3A_64 = arith.muli %add3A_62, %mul3A_63 : i32
      %swap3A_65 = arith.index_cast %mul3A_64 : i32 to index
      %swap3A_66 = tpu.vector_load %arg5[%swap3A_65] {strides = array<i32>} : memref<10000xf32, #tpu.memory_space<vmem>>, vector<16xf32>,
      tpu.vector_store %arg5[%swap3A_65], %broadcast_in_dim3A_3 {strides = array<i32>} : memref<10000xf32, #tpu.memory_space<vmem>>, vector<16xf32>,
      %mul3A_67 = arith.constant 5 : i32
      %mul3A_68 = arith.muli %scan3A_34, %mul3A_67 : i32
      %add3A_69 = arith.constant 4 : i32
      %add3A_70 = arith.addi %mul3A_68, %add3A_69 : i32
      %mul3A_71 = arith.constant 16 : i32
      %mul3A_72 = arith.muli %add3A_70, %mul3A_71 : i32
      %swap3A_73 = arith.index_cast %mul3A_72 : i32 to index
      %swap3A_74 = tpu.vector_load %arg5[%swap3A_73] {strides = array<i32>} : memref<10000xf32, #tpu.memory_space<vmem>>, vector<16xf32>,
      tpu.vector_store %arg5[%swap3A_73], %broadcast_in_dim3A_3 {strides = array<i32>} : memref<10000xf32, #tpu.memory_space<vmem>>, vector<16xf32>,
      %scan3A_75 = arith.constant 0 : i32
      scf.yield %scan3A_75 : i32
    }
    %scan3A_25 = arith.constant 125 : i32
    %scan3A_26 = arith.constant 0 : i32
    %scan3A_27 = arith.constant 0 : i32
    %scan3A_28 = arith.constant 125 : i32
    %scan3A_29 = arith.addi %scan3A_27, %scan3A_28 : i32
    %scan3A_30 = arith.constant 1 : i32
    %scan3A_31 = scf.for %scan3A_34 = %scan3A_27 to %scan3A_29 step %scan3A_30 iter_args(%scan3A_35 = %scan3A_26) -> (i32)  : i32 {
      %mul3A_36 = arith.constant 5 : i32
      %mul3A_37 = arith.muli %scan3A_34, %mul3A_36 : i32
      %add3A_38 = arith.constant 0 : i32
      %add3A_39 = arith.addi %mul3A_37, %add3A_38 : i32
      %mul3A_40 = arith.constant 16 : i32
      %mul3A_41 = arith.muli %add3A_39, %mul3A_40 : i32
      %get3A = arith.index_cast %mul3A_41 : i32 to index
      %get3A_42 = tpu.vector_load %arg4[%get3A] {strides = array<i32>} : memref<10000xi32, #tpu.memory_space<vmem>>, vector<16xi32>,
      tpu.vector_store_idx %arg5[%get3A_42], %broadcast_in_dim3A_1 {add = true} : memref<10000xf32, #tpu.memory_space<vmem>>[vector<16xi32>], vector<16xf32>,
      %mul3A_43 = arith.constant 5 : i32
      %mul3A_44 = arith.muli %scan3A_34, %mul3A_43 : i32
      %add3A_45 = arith.constant 1 : i32
      %add3A_46 = arith.addi %mul3A_44, %add3A_45 : i32
      %mul3A_47 = arith.constant 16 : i32
      %mul3A_48 = arith.muli %add3A_46, %mul3A_47 : i32
      %get3A_49 = arith.index_cast %mul3A_48 : i32 to index
      %get3A_50 = tpu.vector_load %arg4[%get3A_49] {strides = array<i32>} : memref<10000xi32, #tpu.memory_space<vmem>>, vector<16xi32>,
      tpu.vector_store_idx %arg5[%get3A_50], %broadcast_in_dim3A_1 {add = true} : memref<10000xf32, #tpu.memory_space<vmem>>[vector<16xi32>], vector<16xf32>,
      %mul3A_51 = arith.constant 5 : i32
      %mul3A_52 = arith.muli %scan3A_34, %mul3A_51 : i32
      %add3A_53 = arith.constant 2 : i32
      %add3A_54 = arith.addi %mul3A_52, %add3A_53 : i32
      %mul3A_55 = arith.constant 16 : i32
      %mul3A_56 = arith.muli %add3A_54, %mul3A_55 : i32
      %get3A_57 = arith.index_cast %mul3A_56 : i32 to index
      %get3A_58 = tpu.vector_load %arg4[%get3A_57] {strides = array<i32>} : memref<10000xi32, #tpu.memory_space<vmem>>, vector<16xi32>,
      tpu.vector_store_idx %arg5[%get3A_58], %broadcast_in_dim3A_1 {add = true} : memref<10000xf32, #tpu.memory_space<vmem>>[vector<16xi32>], vector<16xf32>,
      %mul3A_59 = arith.constant 5 : i32
      %mul3A_60 = arith.muli %scan3A_34, %mul3A_59 : i32
      %add3A_61 = arith.constant 3 : i32
      %add3A_62 = arith.addi %mul3A_60, %add3A_61 : i32
      %mul3A_63 = arith.constant 16 : i32
      %mul3A_64 = arith.muli %add3A_62, %mul3A_63 : i32
      %get3A_65 = arith.index_cast %mul3A_64 : i32 to index
      %get3A_66 = tpu.vector_load %arg4[%get3A_65] {strides = array<i32>} : memref<10000xi32, #tpu.memory_space<vmem>>, vector<16xi32>,
      tpu.vector_store_idx %arg5[%get3A_66], %broadcast_in_dim3A_1 {add = true} : memref<10000xf32, #tpu.memory_space<vmem>>[vector<16xi32>], vector<16xf32>,
      %mul3A_67 = arith.constant 5 : i32
      %mul3A_68 = arith.muli %scan3A_34, %mul3A_67 : i32
      %add3A_69 = arith.constant 4 : i32
      %add3A_70 = arith.addi %mul3A_68, %add3A_69 : i32
      %mul3A_71 = arith.constant 16 : i32
      %mul3A_72 = arith.muli %add3A_70, %mul3A_71 : i32
      %get3A_73 = arith.index_cast %mul3A_72 : i32 to index
      %get3A_74 = tpu.vector_load %arg4[%get3A_73] {strides = array<i32>} : memref<10000xi32, #tpu.memory_space<vmem>>, vector<16xi32>,
      tpu.vector_store_idx %arg5[%get3A_74], %broadcast_in_dim3A_1 {add = true} : memref<10000xf32, #tpu.memory_space<vmem>>[vector<16xi32>], vector<16xf32>,
      %scan3A_75 = arith.constant 0 : i32
      scf.yield %scan3A_75 : i32
    }
    %scan3A_32 = arith.constant 125 : i32
    %run_scoped3A_33 = arith.constant 1 : i32
    "tpu.region"() ({
      %run_scoped3A_34 = tpu.sem_alloc : memref<!tpu.dma_semaphore, #tpu.memory_space<semaphore_mem>>
      %dma_start3A = arith.constant 0 : i32
      %dma_start3A_35 = tpu.memref_slice %arg3[%run_scoped3A_33, %add3A, %dma_start3A] : memref<2x32x10000xf32, #tpu.memory_space<hbm>> -> memref<1x1x10000xf32, #tpu.memory_space<hbm>>
      %dma_start3A_36 = tpu.memref_squeeze %dma_start3A_35 : memref<1x1x10000xf32, #tpu.memory_space<hbm>> -> memref<10000xf32, #tpu.memory_space<hbm>>
      %dma_start3A_37 = arith.constant 0 : i32
      %dma_start3A_38 = tpu.memref_slice %arg3[%run_scoped3A_33, %add3A, %dma_start3A_37] : memref<2x32x10000xf32, #tpu.memory_space<hbm>> -> memref<1x1x10000xf32, #tpu.memory_space<hbm>>
      %dma_start3A_39 = tpu.memref_squeeze %dma_start3A_38 : memref<1x1x10000xf32, #tpu.memory_space<hbm>> -> memref<10000xf32, #tpu.memory_space<hbm>>
      tpu.enqueue_dma source(%arg5 : memref<10000xf32, #tpu.memory_space<vmem>>) target(%dma_start3A_39 : memref<10000xf32, #tpu.memory_space<hbm>>) target_semaphore(%run_scoped3A_34 : memref<!tpu.dma_semaphore, #tpu.memory_space<semaphore_mem>>)
      %dma_wait3A = arith.constant 0 : i32
      %dma_wait3A_40 = tpu.memref_slice %arg3[%run_scoped3A_33, %add3A, %dma_wait3A] : memref<2x32x10000xf32, #tpu.memory_space<hbm>> -> memref<1x1x10000xf32, #tpu.memory_space<hbm>>
      %dma_wait3A_41 = tpu.memref_squeeze %dma_wait3A_40 : memref<1x1x10000xf32, #tpu.memory_space<hbm>> -> memref<10000xf32, #tpu.memory_space<hbm>>
      %dma_wait3A_42 = arith.constant 0 : i32
      %dma_wait3A_43 = tpu.memref_slice %arg3[%run_scoped3A_33, %add3A, %dma_wait3A_42] : memref<2x32x10000xf32, #tpu.memory_space<hbm>> -> memref<1x1x10000xf32, #tpu.memory_space<hbm>>
      %dma_wait3A_44 = tpu.memref_squeeze %dma_wait3A_43 : memref<1x1x10000xf32, #tpu.memory_space<hbm>> -> memref<10000xf32, #tpu.memory_space<hbm>>
      tpu.wait_dma2 semaphore(%run_scoped3A_34 : memref<!tpu.dma_semaphore, #tpu.memory_space<semaphore_mem>>) src(%arg5 : memref<10000xf32, #tpu.memory_space<vmem>>) dst(%dma_wait3A_44 : memref<10000xf32, #tpu.memory_space<hbm>>)
      tpu.yield
    }) : () -> ()
    return
  }
}

#map = affine_map<(d0, d1) -> (0, 0)>
#map1 = affine_map<(d0, d1) -> (0, 0, 0)>
module attributes {stable_mosaic.version = 14 : i64} {
  func.func @agg_kernel(%arg0: i32, %arg1: i32, %arg2: memref<10240x128xf32, #tpu.memory_space<hbm>>, %arg3: memref<32x10000xi32, #tpu.memory_space<hbm>>, %arg4: memref<32x125x80xi32, #tpu.memory_space<hbm>>, %arg5: memref<2x10240x128xf32, #tpu.memory_space<hbm>>, %arg6: memref<10000xi32, #tpu.memory_space<vmem>>, %arg7: memref<125x80xi32, #tpu.memory_space<vmem>>, %arg8: memref<80x128xf32, #tpu.memory_space<vmem>>, %arg9: memref<80x128xf32, #tpu.memory_space<vmem>>, %arg10: memref<10240x128xf32, #tpu.memory_space<vmem_shared>>, %arg11: memref<!tpu.dma_semaphore, #tpu.memory_space<semaphore_mem>>, %arg12: memref<!tpu.dma_semaphore, #tpu.memory_space<semaphore_mem>>) attributes {dimension_semantics = [#tpu.dimension_semantics<core_parallel>, #tpu.dimension_semantics<subcore_parallel>], iteration_bounds = array<i64: 2, 16>, scalar_prefetch = 0 : i64, scratch_operands = 7 : i64, tpu.core_type = #tpu.core_type<sc_vector_subcore>, window_params = [{transform_indices = #map}, {transform_indices = #map}, {transform_indices = #map1}, {transform_indices = #map1}]} {
    %mul3A = arith.constant 16 : i32
    %mul3A_0 = arith.muli %arg0, %mul3A : i32
    %add3A = arith.addi %mul3A_0, %arg1 : i32
    %dma_start3A = arith.constant 0 : i32
    %dma_start3A_1 = tpu.memref_slice %arg3[%add3A, %dma_start3A] : memref<32x10000xi32, #tpu.memory_space<hbm>> -> memref<1x10000xi32, #tpu.memory_space<hbm>>
    %dma_start3A_2 = tpu.memref_squeeze %dma_start3A_1 : memref<1x10000xi32, #tpu.memory_space<hbm>> -> memref<10000xi32, #tpu.memory_space<hbm>>
    %dma_start3A_3 = arith.constant 0 : i32
    %dma_start3A_4 = tpu.memref_slice %arg3[%add3A, %dma_start3A_3] : memref<32x10000xi32, #tpu.memory_space<hbm>> -> memref<1x10000xi32, #tpu.memory_space<hbm>>
    %dma_start3A_5 = tpu.memref_squeeze %dma_start3A_4 : memref<1x10000xi32, #tpu.memory_space<hbm>> -> memref<10000xi32, #tpu.memory_space<hbm>>
    tpu.enqueue_dma source(%dma_start3A_5 : memref<10000xi32, #tpu.memory_space<hbm>>) target(%arg6 : memref<10000xi32, #tpu.memory_space<vmem>>) target_semaphore(%arg11 : memref<!tpu.dma_semaphore, #tpu.memory_space<semaphore_mem>>)
    %dma_start3A_6 = arith.constant 0 : i32
    %dma_start3A_7 = arith.constant 0 : i32
    %dma_start3A_8 = tpu.memref_slice %arg4[%add3A, %dma_start3A_6, %dma_start3A_7] : memref<32x125x80xi32, #tpu.memory_space<hbm>> -> memref<1x125x80xi32, #tpu.memory_space<hbm>>
    %dma_start3A_9 = tpu.memref_squeeze %dma_start3A_8 : memref<1x125x80xi32, #tpu.memory_space<hbm>> -> memref<125x80xi32, #tpu.memory_space<hbm>>
    %dma_start3A_10 = arith.constant 0 : i32
    %dma_start3A_11 = arith.constant 0 : i32
    %dma_start3A_12 = tpu.memref_slice %arg4[%add3A, %dma_start3A_10, %dma_start3A_11] : memref<32x125x80xi32, #tpu.memory_space<hbm>> -> memref<1x125x80xi32, #tpu.memory_space<hbm>>
    %dma_start3A_13 = tpu.memref_squeeze %dma_start3A_12 : memref<1x125x80xi32, #tpu.memory_space<hbm>> -> memref<125x80xi32, #tpu.memory_space<hbm>>
    tpu.enqueue_dma source(%dma_start3A_13 : memref<125x80xi32, #tpu.memory_space<hbm>>) target(%arg7 : memref<125x80xi32, #tpu.memory_space<vmem>>) target_semaphore(%arg12 : memref<!tpu.dma_semaphore, #tpu.memory_space<semaphore_mem>>)
    %broadcast_in_dim3A = arith.constant 0.000000e+00 : f32
    %broadcast_in_dim3A_14 = vector.broadcast %broadcast_in_dim3A : f32 to vector<16xf32>
    %scan3A = arith.constant 0 : i32
    %scan3A_15 = arith.constant 0 : i32
    %scan3A_16 = arith.constant 80 : i32
    %scan3A_17 = arith.addi %scan3A_15, %scan3A_16 : i32
    %scan3A_18 = arith.constant 1 : i32
    %scan3A_19 = scf.for %scan3A_104 = %scan3A_15 to %scan3A_17 step %scan3A_18 iter_args(%scan3A_105 = %scan3A) -> (i32)  : i32 {
      %swap3A = arith.index_cast %scan3A_104 : i32 to index
      %swap3A_106 = arith.constant 0 : index
      %swap3A_107 = tpu.vector_load %arg8[%swap3A, %swap3A_106] {strides = array<i32>} : memref<80x128xf32, #tpu.memory_space<vmem>>, vector<16xf32>,
      tpu.vector_store %arg8[%swap3A, %swap3A_106], %broadcast_in_dim3A_14 {strides = array<i32>} : memref<80x128xf32, #tpu.memory_space<vmem>>, vector<16xf32>,
      %swap3A_108 = arith.index_cast %scan3A_104 : i32 to index
      %swap3A_109 = arith.constant 16 : index
      %swap3A_110 = tpu.vector_load %arg8[%swap3A_108, %swap3A_109] {strides = array<i32>} : memref<80x128xf32, #tpu.memory_space<vmem>>, vector<16xf32>,
      tpu.vector_store %arg8[%swap3A_108, %swap3A_109], %broadcast_in_dim3A_14 {strides = array<i32>} : memref<80x128xf32, #tpu.memory_space<vmem>>, vector<16xf32>,
      %swap3A_111 = arith.index_cast %scan3A_104 : i32 to index
      %swap3A_112 = arith.constant 32 : index
      %swap3A_113 = tpu.vector_load %arg8[%swap3A_111, %swap3A_112] {strides = array<i32>} : memref<80x128xf32, #tpu.memory_space<vmem>>, vector<16xf32>,
      tpu.vector_store %arg8[%swap3A_111, %swap3A_112], %broadcast_in_dim3A_14 {strides = array<i32>} : memref<80x128xf32, #tpu.memory_space<vmem>>, vector<16xf32>,
      %swap3A_114 = arith.index_cast %scan3A_104 : i32 to index
      %swap3A_115 = arith.constant 48 : index
      %swap3A_116 = tpu.vector_load %arg8[%swap3A_114, %swap3A_115] {strides = array<i32>} : memref<80x128xf32, #tpu.memory_space<vmem>>, vector<16xf32>,
      tpu.vector_store %arg8[%swap3A_114, %swap3A_115], %broadcast_in_dim3A_14 {strides = array<i32>} : memref<80x128xf32, #tpu.memory_space<vmem>>, vector<16xf32>,
      %swap3A_117 = arith.index_cast %scan3A_104 : i32 to index
      %swap3A_118 = arith.constant 64 : index
      %swap3A_119 = tpu.vector_load %arg8[%swap3A_117, %swap3A_118] {strides = array<i32>} : memref<80x128xf32, #tpu.memory_space<vmem>>, vector<16xf32>,
      tpu.vector_store %arg8[%swap3A_117, %swap3A_118], %broadcast_in_dim3A_14 {strides = array<i32>} : memref<80x128xf32, #tpu.memory_space<vmem>>, vector<16xf32>,
      %swap3A_120 = arith.index_cast %scan3A_104 : i32 to index
      %swap3A_121 = arith.constant 80 : index
      %swap3A_122 = tpu.vector_load %arg8[%swap3A_120, %swap3A_121] {strides = array<i32>} : memref<80x128xf32, #tpu.memory_space<vmem>>, vector<16xf32>,
      tpu.vector_store %arg8[%swap3A_120, %swap3A_121], %broadcast_in_dim3A_14 {strides = array<i32>} : memref<80x128xf32, #tpu.memory_space<vmem>>, vector<16xf32>,
      %swap3A_123 = arith.index_cast %scan3A_104 : i32 to index
      %swap3A_124 = arith.constant 96 : index
      %swap3A_125 = tpu.vector_load %arg8[%swap3A_123, %swap3A_124] {strides = array<i32>} : memref<80x128xf32, #tpu.memory_space<vmem>>, vector<16xf32>,
      tpu.vector_store %arg8[%swap3A_123, %swap3A_124], %broadcast_in_dim3A_14 {strides = array<i32>} : memref<80x128xf32, #tpu.memory_space<vmem>>, vector<16xf32>,
      %swap3A_126 = arith.index_cast %scan3A_104 : i32 to index
      %swap3A_127 = arith.constant 112 : index
      %swap3A_128 = tpu.vector_load %arg8[%swap3A_126, %swap3A_127] {strides = array<i32>} : memref<80x128xf32, #tpu.memory_space<vmem>>, vector<16xf32>,
      tpu.vector_store %arg8[%swap3A_126, %swap3A_127], %broadcast_in_dim3A_14 {strides = array<i32>} : memref<80x128xf32, #tpu.memory_space<vmem>>, vector<16xf32>,
      %scan3A_129 = arith.constant 0 : i32
      scf.yield %scan3A_129 : i32
    }
    %scan3A_20 = arith.constant 80 : i32
    %mul3A_21 = arith.constant 640 : i32
    %mul3A_22 = arith.muli %arg1, %mul3A_21 : i32
    %add3A_23 = arith.constant 0 : i32
    %add3A_24 = arith.addi %mul3A_22, %add3A_23 : i32
    "tpu.region"() ({
      %run_scoped3A_104 = tpu.sem_alloc : memref<!tpu.dma_semaphore, #tpu.memory_space<semaphore_mem>>
      %dma_start3A_105 = arith.constant 0 : i32
      %dma_start3A_106 = tpu.memref_slice %arg10[%add3A_24, %dma_start3A_105] : memref<10240x128xf32, #tpu.memory_space<vmem_shared>> -> memref<80x128xf32, #tpu.memory_space<vmem_shared>>
      %dma_start3A_107 = arith.constant 0 : i32
      %dma_start3A_108 = tpu.memref_slice %arg10[%add3A_24, %dma_start3A_107] : memref<10240x128xf32, #tpu.memory_space<vmem_shared>> -> memref<80x128xf32, #tpu.memory_space<vmem_shared>>
      tpu.enqueue_dma source(%arg8 : memref<80x128xf32, #tpu.memory_space<vmem>>) target(%dma_start3A_108 : memref<80x128xf32, #tpu.memory_space<vmem_shared>>) target_semaphore(%run_scoped3A_104 : memref<!tpu.dma_semaphore, #tpu.memory_space<semaphore_mem>>)
      %dma_wait3A_109 = arith.constant 0 : i32
      %dma_wait3A_110 = tpu.memref_slice %arg10[%add3A_24, %dma_wait3A_109] : memref<10240x128xf32, #tpu.memory_space<vmem_shared>> -> memref<80x128xf32, #tpu.memory_space<vmem_shared>>
      %dma_wait3A_111 = arith.constant 0 : i32
      %dma_wait3A_112 = tpu.memref_slice %arg10[%add3A_24, %dma_wait3A_111] : memref<10240x128xf32, #tpu.memory_space<vmem_shared>> -> memref<80x128xf32, #tpu.memory_space<vmem_shared>>
      tpu.wait_dma2 semaphore(%run_scoped3A_104 : memref<!tpu.dma_semaphore, #tpu.memory_space<semaphore_mem>>) src(%arg8 : memref<80x128xf32, #tpu.memory_space<vmem>>) dst(%dma_wait3A_112 : memref<80x128xf32, #tpu.memory_space<vmem_shared>>)
      tpu.yield
    }) : () -> ()
    %mul3A_25 = arith.constant 640 : i32
    %mul3A_26 = arith.muli %arg1, %mul3A_25 : i32
    %add3A_27 = arith.constant 80 : i32
    %add3A_28 = arith.addi %mul3A_26, %add3A_27 : i32
    "tpu.region"() ({
      %run_scoped3A_104 = tpu.sem_alloc : memref<!tpu.dma_semaphore, #tpu.memory_space<semaphore_mem>>
      %dma_start3A_105 = arith.constant 0 : i32
      %dma_start3A_106 = tpu.memref_slice %arg10[%add3A_28, %dma_start3A_105] : memref<10240x128xf32, #tpu.memory_space<vmem_shared>> -> memref<80x128xf32, #tpu.memory_space<vmem_shared>>
      %dma_start3A_107 = arith.constant 0 : i32
      %dma_start3A_108 = tpu.memref_slice %arg10[%add3A_28, %dma_start3A_107] : memref<10240x128xf32, #tpu.memory_space<vmem_shared>> -> memref<80x128xf32, #tpu.memory_space<vmem_shared>>
      tpu.enqueue_dma source(%arg8 : memref<80x128xf32, #tpu.memory_space<vmem>>) target(%dma_start3A_108 : memref<80x128xf32, #tpu.memory_space<vmem_shared>>) target_semaphore(%run_scoped3A_104 : memref<!tpu.dma_semaphore, #tpu.memory_space<semaphore_mem>>)
      %dma_wait3A_109 = arith.constant 0 : i32
      %dma_wait3A_110 = tpu.memref_slice %arg10[%add3A_28, %dma_wait3A_109] : memref<10240x128xf32, #tpu.memory_space<vmem_shared>> -> memref<80x128xf32, #tpu.memory_space<vmem_shared>>
      %dma_wait3A_111 = arith.constant 0 : i32
      %dma_wait3A_112 = tpu.memref_slice %arg10[%add3A_28, %dma_wait3A_111] : memref<10240x128xf32, #tpu.memory_space<vmem_shared>> -> memref<80x128xf32, #tpu.memory_space<vmem_shared>>
      tpu.wait_dma2 semaphore(%run_scoped3A_104 : memref<!tpu.dma_semaphore, #tpu.memory_space<semaphore_mem>>) src(%arg8 : memref<80x128xf32, #tpu.memory_space<vmem>>) dst(%dma_wait3A_112 : memref<80x128xf32, #tpu.memory_space<vmem_shared>>)
      tpu.yield
    }) : () -> ()
    %mul3A_29 = arith.constant 640 : i32
    %mul3A_30 = arith.muli %arg1, %mul3A_29 : i32
    %add3A_31 = arith.constant 160 : i32
    %add3A_32 = arith.addi %mul3A_30, %add3A_31 : i32
    "tpu.region"() ({
      %run_scoped3A_104 = tpu.sem_alloc : memref<!tpu.dma_semaphore, #tpu.memory_space<semaphore_mem>>
      %dma_start3A_105 = arith.constant 0 : i32
      %dma_start3A_106 = tpu.memref_slice %arg10[%add3A_32, %dma_start3A_105] : memref<10240x128xf32, #tpu.memory_space<vmem_shared>> -> memref<80x128xf32, #tpu.memory_space<vmem_shared>>
      %dma_start3A_107 = arith.constant 0 : i32
      %dma_start3A_108 = tpu.memref_slice %arg10[%add3A_32, %dma_start3A_107] : memref<10240x128xf32, #tpu.memory_space<vmem_shared>> -> memref<80x128xf32, #tpu.memory_space<vmem_shared>>
      tpu.enqueue_dma source(%arg8 : memref<80x128xf32, #tpu.memory_space<vmem>>) target(%dma_start3A_108 : memref<80x128xf32, #tpu.memory_space<vmem_shared>>) target_semaphore(%run_scoped3A_104 : memref<!tpu.dma_semaphore, #tpu.memory_space<semaphore_mem>>)
      %dma_wait3A_109 = arith.constant 0 : i32
      %dma_wait3A_110 = tpu.memref_slice %arg10[%add3A_32, %dma_wait3A_109] : memref<10240x128xf32, #tpu.memory_space<vmem_shared>> -> memref<80x128xf32, #tpu.memory_space<vmem_shared>>
      %dma_wait3A_111 = arith.constant 0 : i32
      %dma_wait3A_112 = tpu.memref_slice %arg10[%add3A_32, %dma_wait3A_111] : memref<10240x128xf32, #tpu.memory_space<vmem_shared>> -> memref<80x128xf32, #tpu.memory_space<vmem_shared>>
      tpu.wait_dma2 semaphore(%run_scoped3A_104 : memref<!tpu.dma_semaphore, #tpu.memory_space<semaphore_mem>>) src(%arg8 : memref<80x128xf32, #tpu.memory_space<vmem>>) dst(%dma_wait3A_112 : memref<80x128xf32, #tpu.memory_space<vmem_shared>>)
      tpu.yield
    }) : () -> ()
    %mul3A_33 = arith.constant 640 : i32
    %mul3A_34 = arith.muli %arg1, %mul3A_33 : i32
    %add3A_35 = arith.constant 240 : i32
    %add3A_36 = arith.addi %mul3A_34, %add3A_35 : i32
    "tpu.region"() ({
      %run_scoped3A_104 = tpu.sem_alloc : memref<!tpu.dma_semaphore, #tpu.memory_space<semaphore_mem>>
      %dma_start3A_105 = arith.constant 0 : i32
      %dma_start3A_106 = tpu.memref_slice %arg10[%add3A_36, %dma_start3A_105] : memref<10240x128xf32, #tpu.memory_space<vmem_shared>> -> memref<80x128xf32, #tpu.memory_space<vmem_shared>>
      %dma_start3A_107 = arith.constant 0 : i32
      %dma_start3A_108 = tpu.memref_slice %arg10[%add3A_36, %dma_start3A_107] : memref<10240x128xf32, #tpu.memory_space<vmem_shared>> -> memref<80x128xf32, #tpu.memory_space<vmem_shared>>
      tpu.enqueue_dma source(%arg8 : memref<80x128xf32, #tpu.memory_space<vmem>>) target(%dma_start3A_108 : memref<80x128xf32, #tpu.memory_space<vmem_shared>>) target_semaphore(%run_scoped3A_104 : memref<!tpu.dma_semaphore, #tpu.memory_space<semaphore_mem>>)
      %dma_wait3A_109 = arith.constant 0 : i32
      %dma_wait3A_110 = tpu.memref_slice %arg10[%add3A_36, %dma_wait3A_109] : memref<10240x128xf32, #tpu.memory_space<vmem_shared>> -> memref<80x128xf32, #tpu.memory_space<vmem_shared>>
      %dma_wait3A_111 = arith.constant 0 : i32
      %dma_wait3A_112 = tpu.memref_slice %arg10[%add3A_36, %dma_wait3A_111] : memref<10240x128xf32, #tpu.memory_space<vmem_shared>> -> memref<80x128xf32, #tpu.memory_space<vmem_shared>>
      tpu.wait_dma2 semaphore(%run_scoped3A_104 : memref<!tpu.dma_semaphore, #tpu.memory_space<semaphore_mem>>) src(%arg8 : memref<80x128xf32, #tpu.memory_space<vmem>>) dst(%dma_wait3A_112 : memref<80x128xf32, #tpu.memory_space<vmem_shared>>)
      tpu.yield
    }) : () -> ()
    %mul3A_37 = arith.constant 640 : i32
    %mul3A_38 = arith.muli %arg1, %mul3A_37 : i32
    %add3A_39 = arith.constant 320 : i32
    %add3A_40 = arith.addi %mul3A_38, %add3A_39 : i32
    "tpu.region"() ({
      %run_scoped3A_104 = tpu.sem_alloc : memref<!tpu.dma_semaphore, #tpu.memory_space<semaphore_mem>>
      %dma_start3A_105 = arith.constant 0 : i32
      %dma_start3A_106 = tpu.memref_slice %arg10[%add3A_40, %dma_start3A_105] : memref<10240x128xf32, #tpu.memory_space<vmem_shared>> -> memref<80x128xf32, #tpu.memory_space<vmem_shared>>
      %dma_start3A_107 = arith.constant 0 : i32
      %dma_start3A_108 = tpu.memref_slice %arg10[%add3A_40, %dma_start3A_107] : memref<10240x128xf32, #tpu.memory_space<vmem_shared>> -> memref<80x128xf32, #tpu.memory_space<vmem_shared>>
      tpu.enqueue_dma source(%arg8 : memref<80x128xf32, #tpu.memory_space<vmem>>) target(%dma_start3A_108 : memref<80x128xf32, #tpu.memory_space<vmem_shared>>) target_semaphore(%run_scoped3A_104 : memref<!tpu.dma_semaphore, #tpu.memory_space<semaphore_mem>>)
      %dma_wait3A_109 = arith.constant 0 : i32
      %dma_wait3A_110 = tpu.memref_slice %arg10[%add3A_40, %dma_wait3A_109] : memref<10240x128xf32, #tpu.memory_space<vmem_shared>> -> memref<80x128xf32, #tpu.memory_space<vmem_shared>>
      %dma_wait3A_111 = arith.constant 0 : i32
      %dma_wait3A_112 = tpu.memref_slice %arg10[%add3A_40, %dma_wait3A_111] : memref<10240x128xf32, #tpu.memory_space<vmem_shared>> -> memref<80x128xf32, #tpu.memory_space<vmem_shared>>
      tpu.wait_dma2 semaphore(%run_scoped3A_104 : memref<!tpu.dma_semaphore, #tpu.memory_space<semaphore_mem>>) src(%arg8 : memref<80x128xf32, #tpu.memory_space<vmem>>) dst(%dma_wait3A_112 : memref<80x128xf32, #tpu.memory_space<vmem_shared>>)
      tpu.yield
    }) : () -> ()
    %mul3A_41 = arith.constant 640 : i32
    %mul3A_42 = arith.muli %arg1, %mul3A_41 : i32
    %add3A_43 = arith.constant 400 : i32
    %add3A_44 = arith.addi %mul3A_42, %add3A_43 : i32
    "tpu.region"() ({
      %run_scoped3A_104 = tpu.sem_alloc : memref<!tpu.dma_semaphore, #tpu.memory_space<semaphore_mem>>
      %dma_start3A_105 = arith.constant 0 : i32
      %dma_start3A_106 = tpu.memref_slice %arg10[%add3A_44, %dma_start3A_105] : memref<10240x128xf32, #tpu.memory_space<vmem_shared>> -> memref<80x128xf32, #tpu.memory_space<vmem_shared>>
      %dma_start3A_107 = arith.constant 0 : i32
      %dma_start3A_108 = tpu.memref_slice %arg10[%add3A_44, %dma_start3A_107] : memref<10240x128xf32, #tpu.memory_space<vmem_shared>> -> memref<80x128xf32, #tpu.memory_space<vmem_shared>>
      tpu.enqueue_dma source(%arg8 : memref<80x128xf32, #tpu.memory_space<vmem>>) target(%dma_start3A_108 : memref<80x128xf32, #tpu.memory_space<vmem_shared>>) target_semaphore(%run_scoped3A_104 : memref<!tpu.dma_semaphore, #tpu.memory_space<semaphore_mem>>)
      %dma_wait3A_109 = arith.constant 0 : i32
      %dma_wait3A_110 = tpu.memref_slice %arg10[%add3A_44, %dma_wait3A_109] : memref<10240x128xf32, #tpu.memory_space<vmem_shared>> -> memref<80x128xf32, #tpu.memory_space<vmem_shared>>
      %dma_wait3A_111 = arith.constant 0 : i32
      %dma_wait3A_112 = tpu.memref_slice %arg10[%add3A_44, %dma_wait3A_111] : memref<10240x128xf32, #tpu.memory_space<vmem_shared>> -> memref<80x128xf32, #tpu.memory_space<vmem_shared>>
      tpu.wait_dma2 semaphore(%run_scoped3A_104 : memref<!tpu.dma_semaphore, #tpu.memory_space<semaphore_mem>>) src(%arg8 : memref<80x128xf32, #tpu.memory_space<vmem>>) dst(%dma_wait3A_112 : memref<80x128xf32, #tpu.memory_space<vmem_shared>>)
      tpu.yield
    }) : () -> ()
    %mul3A_45 = arith.constant 640 : i32
    %mul3A_46 = arith.muli %arg1, %mul3A_45 : i32
    %add3A_47 = arith.constant 480 : i32
    %add3A_48 = arith.addi %mul3A_46, %add3A_47 : i32
    "tpu.region"() ({
      %run_scoped3A_104 = tpu.sem_alloc : memref<!tpu.dma_semaphore, #tpu.memory_space<semaphore_mem>>
      %dma_start3A_105 = arith.constant 0 : i32
      %dma_start3A_106 = tpu.memref_slice %arg10[%add3A_48, %dma_start3A_105] : memref<10240x128xf32, #tpu.memory_space<vmem_shared>> -> memref<80x128xf32, #tpu.memory_space<vmem_shared>>
      %dma_start3A_107 = arith.constant 0 : i32
      %dma_start3A_108 = tpu.memref_slice %arg10[%add3A_48, %dma_start3A_107] : memref<10240x128xf32, #tpu.memory_space<vmem_shared>> -> memref<80x128xf32, #tpu.memory_space<vmem_shared>>
      tpu.enqueue_dma source(%arg8 : memref<80x128xf32, #tpu.memory_space<vmem>>) target(%dma_start3A_108 : memref<80x128xf32, #tpu.memory_space<vmem_shared>>) target_semaphore(%run_scoped3A_104 : memref<!tpu.dma_semaphore, #tpu.memory_space<semaphore_mem>>)
      %dma_wait3A_109 = arith.constant 0 : i32
      %dma_wait3A_110 = tpu.memref_slice %arg10[%add3A_48, %dma_wait3A_109] : memref<10240x128xf32, #tpu.memory_space<vmem_shared>> -> memref<80x128xf32, #tpu.memory_space<vmem_shared>>
      %dma_wait3A_111 = arith.constant 0 : i32
      %dma_wait3A_112 = tpu.memref_slice %arg10[%add3A_48, %dma_wait3A_111] : memref<10240x128xf32, #tpu.memory_space<vmem_shared>> -> memref<80x128xf32, #tpu.memory_space<vmem_shared>>
      tpu.wait_dma2 semaphore(%run_scoped3A_104 : memref<!tpu.dma_semaphore, #tpu.memory_space<semaphore_mem>>) src(%arg8 : memref<80x128xf32, #tpu.memory_space<vmem>>) dst(%dma_wait3A_112 : memref<80x128xf32, #tpu.memory_space<vmem_shared>>)
      tpu.yield
    }) : () -> ()
    %mul3A_49 = arith.constant 640 : i32
    %mul3A_50 = arith.muli %arg1, %mul3A_49 : i32
    %add3A_51 = arith.constant 560 : i32
    %add3A_52 = arith.addi %mul3A_50, %add3A_51 : i32
    "tpu.region"() ({
      %run_scoped3A_104 = tpu.sem_alloc : memref<!tpu.dma_semaphore, #tpu.memory_space<semaphore_mem>>
      %dma_start3A_105 = arith.constant 0 : i32
      %dma_start3A_106 = tpu.memref_slice %arg10[%add3A_52, %dma_start3A_105] : memref<10240x128xf32, #tpu.memory_space<vmem_shared>> -> memref<80x128xf32, #tpu.memory_space<vmem_shared>>
      %dma_start3A_107 = arith.constant 0 : i32
      %dma_start3A_108 = tpu.memref_slice %arg10[%add3A_52, %dma_start3A_107] : memref<10240x128xf32, #tpu.memory_space<vmem_shared>> -> memref<80x128xf32, #tpu.memory_space<vmem_shared>>
      tpu.enqueue_dma source(%arg8 : memref<80x128xf32, #tpu.memory_space<vmem>>) target(%dma_start3A_108 : memref<80x128xf32, #tpu.memory_space<vmem_shared>>) target_semaphore(%run_scoped3A_104 : memref<!tpu.dma_semaphore, #tpu.memory_space<semaphore_mem>>)
      %dma_wait3A_109 = arith.constant 0 : i32
      %dma_wait3A_110 = tpu.memref_slice %arg10[%add3A_52, %dma_wait3A_109] : memref<10240x128xf32, #tpu.memory_space<vmem_shared>> -> memref<80x128xf32, #tpu.memory_space<vmem_shared>>
      %dma_wait3A_111 = arith.constant 0 : i32
      %dma_wait3A_112 = tpu.memref_slice %arg10[%add3A_52, %dma_wait3A_111] : memref<10240x128xf32, #tpu.memory_space<vmem_shared>> -> memref<80x128xf32, #tpu.memory_space<vmem_shared>>
      tpu.wait_dma2 semaphore(%run_scoped3A_104 : memref<!tpu.dma_semaphore, #tpu.memory_space<semaphore_mem>>) src(%arg8 : memref<80x128xf32, #tpu.memory_space<vmem>>) dst(%dma_wait3A_112 : memref<80x128xf32, #tpu.memory_space<vmem_shared>>)
      tpu.yield
    }) : () -> ()
    %dma_wait3A = arith.constant 0 : i32
    %dma_wait3A_53 = tpu.memref_slice %arg3[%add3A, %dma_wait3A] : memref<32x10000xi32, #tpu.memory_space<hbm>> -> memref<1x10000xi32, #tpu.memory_space<hbm>>
    %dma_wait3A_54 = tpu.memref_squeeze %dma_wait3A_53 : memref<1x10000xi32, #tpu.memory_space<hbm>> -> memref<10000xi32, #tpu.memory_space<hbm>>
    %dma_wait3A_55 = arith.constant 0 : i32
    %dma_wait3A_56 = tpu.memref_slice %arg3[%add3A, %dma_wait3A_55] : memref<32x10000xi32, #tpu.memory_space<hbm>> -> memref<1x10000xi32, #tpu.memory_space<hbm>>
    %dma_wait3A_57 = tpu.memref_squeeze %dma_wait3A_56 : memref<1x10000xi32, #tpu.memory_space<hbm>> -> memref<10000xi32, #tpu.memory_space<hbm>>
    tpu.wait_dma2 semaphore(%arg11 : memref<!tpu.dma_semaphore, #tpu.memory_space<semaphore_mem>>) src(%dma_wait3A_57 : memref<10000xi32, #tpu.memory_space<hbm>>) dst(%arg6 : memref<10000xi32, #tpu.memory_space<vmem>>)
    %dma_wait3A_58 = arith.constant 0 : i32
    %dma_wait3A_59 = arith.constant 0 : i32
    %dma_wait3A_60 = tpu.memref_slice %arg4[%add3A, %dma_wait3A_58, %dma_wait3A_59] : memref<32x125x80xi32, #tpu.memory_space<hbm>> -> memref<1x125x80xi32, #tpu.memory_space<hbm>>
    %dma_wait3A_61 = tpu.memref_squeeze %dma_wait3A_60 : memref<1x125x80xi32, #tpu.memory_space<hbm>> -> memref<125x80xi32, #tpu.memory_space<hbm>>
    %dma_wait3A_62 = arith.constant 0 : i32
    %dma_wait3A_63 = arith.constant 0 : i32
    %dma_wait3A_64 = tpu.memref_slice %arg4[%add3A, %dma_wait3A_62, %dma_wait3A_63] : memref<32x125x80xi32, #tpu.memory_space<hbm>> -> memref<1x125x80xi32, #tpu.memory_space<hbm>>
    %dma_wait3A_65 = tpu.memref_squeeze %dma_wait3A_64 : memref<1x125x80xi32, #tpu.memory_space<hbm>> -> memref<125x80xi32, #tpu.memory_space<hbm>>
    tpu.wait_dma2 semaphore(%arg12 : memref<!tpu.dma_semaphore, #tpu.memory_space<semaphore_mem>>) src(%dma_wait3A_65 : memref<125x80xi32, #tpu.memory_space<hbm>>) dst(%arg7 : memref<125x80xi32, #tpu.memory_space<vmem>>)
    %barrier3A = arith.constant 0 : index
    tpu.barrier barrier_id(%barrier3A)
    %dma_start3A_66 = arith.constant 0 : i32
    %dma_start3A_67 = tpu.memref_slice %arg6[%dma_start3A_66] : memref<10000xi32, #tpu.memory_space<vmem>> -> memref<80xi32, #tpu.memory_space<vmem>>
    %dma_start3A_68 = arith.constant 0 : i32
    %dma_start3A_69 = arith.constant 0 : i32
    %dma_start3A_70 = tpu.memref_slice %arg2[%dma_start3A_68, %dma_start3A_69] : memref<10240x128xf32, #tpu.memory_space<hbm>> -> memref<10240x128xf32, #tpu.memory_space<hbm>>
    tpu.enqueue_indirect_dma source(%dma_start3A_70 : memref<10240x128xf32, #tpu.memory_space<hbm>>) target(%arg8 : memref<80x128xf32, #tpu.memory_space<vmem>>) offsets(%dma_start3A_67 : memref<80xi32, #tpu.memory_space<vmem>>) semaphore(%arg11 : memref<!tpu.dma_semaphore, #tpu.memory_space<semaphore_mem>>)
    %scan3A_71 = arith.constant 0 : i32
    %scan3A_72 = arith.constant 0 : i32
    %scan3A_73 = arith.constant 62 : i32
    %scan3A_74 = arith.addi %scan3A_72, %scan3A_73 : i32
    %scan3A_75 = arith.constant 1 : i32
    %scan3A_76 = scf.for %scan3A_104 = %scan3A_72 to %scan3A_74 step %scan3A_75 iter_args(%scan3A_105 = %scan3A_71) -> (i32)  : i32 {
      %mul3A_106 = arith.constant 2 : i32
      %mul3A_107 = arith.muli %scan3A_104, %mul3A_106 : i32
      %add3A_108 = arith.constant 0 : i32
      %add3A_109 = arith.addi %mul3A_107, %add3A_108 : i32
      %add3A_110 = arith.constant 1 : i32
      %add3A_111 = arith.addi %add3A_109, %add3A_110 : i32
      %lt3A = arith.constant 125 : i32
      %lt3A_112 = arith.cmpi slt, %add3A_111, %lt3A : i32
      %convert_element_type3A = arith.extui %lt3A_112 : i1 to i32
      %cond3A = arith.constant 0 : i32
      %cond3A_113 = arith.cmpi ne, %convert_element_type3A, %cond3A : i32
      scf.if %cond3A_113 {
        %mul3A_138 = arith.constant 80 : i32
        %mul3A_139 = arith.muli %add3A_111, %mul3A_138 : i32
        %dma_start3A_140 = tpu.memref_slice %arg6[%mul3A_139] : memref<10000xi32, #tpu.memory_space<vmem>> -> memref<80xi32, #tpu.memory_space<vmem>>
        %dma_start3A_141 = arith.constant 0 : i32
        %dma_start3A_142 = arith.constant 0 : i32
        %dma_start3A_143 = tpu.memref_slice %arg2[%dma_start3A_141, %dma_start3A_142] : memref<10240x128xf32, #tpu.memory_space<hbm>> -> memref<10240x128xf32, #tpu.memory_space<hbm>>
        tpu.enqueue_indirect_dma source(%dma_start3A_143 : memref<10240x128xf32, #tpu.memory_space<hbm>>) target(%arg9 : memref<80x128xf32, #tpu.memory_space<vmem>>) offsets(%dma_start3A_140 : memref<80xi32, #tpu.memory_space<vmem>>) semaphore(%arg12 : memref<!tpu.dma_semaphore, #tpu.memory_space<semaphore_mem>>)
      } else {
      }
      %mul3A_114 = arith.constant 80 : i32
      %mul3A_115 = arith.muli %add3A_109, %mul3A_114 : i32
      %dma_wait3A_116 = tpu.memref_slice %arg6[%mul3A_115] : memref<10000xi32, #tpu.memory_space<vmem>> -> memref<80xi32, #tpu.memory_space<vmem>>
      %dma_wait3A_117 = arith.constant 0 : i32
      %dma_wait3A_118 = arith.constant 0 : i32
      %dma_wait3A_119 = tpu.memref_slice %arg2[%dma_wait3A_117, %dma_wait3A_118] : memref<10240x128xf32, #tpu.memory_space<hbm>> -> memref<10240x128xf32, #tpu.memory_space<hbm>>
      tpu.wait_indirect_dma semaphore(%arg11 : memref<!tpu.dma_semaphore, #tpu.memory_space<semaphore_mem>>) src(%dma_wait3A_119 : memref<10240x128xf32, #tpu.memory_space<hbm>>) dst(%arg8 : memref<80x128xf32, #tpu.memory_space<vmem>>)
      "tpu.region"() ({
        %run_scoped3A_138 = tpu.sem_alloc : memref<!tpu.dma_semaphore, #tpu.memory_space<semaphore_mem>>
        %dma_start3A_139 = arith.constant 0 : i32
        %dma_start3A_140 = tpu.memref_slice %arg7[%add3A_109, %dma_start3A_139] : memref<125x80xi32, #tpu.memory_space<vmem>> -> memref<1x80xi32, #tpu.memory_space<vmem>>
        %dma_start3A_141 = tpu.memref_squeeze %dma_start3A_140 : memref<1x80xi32, #tpu.memory_space<vmem>> -> memref<80xi32, #tpu.memory_space<vmem>>
        %dma_start3A_142 = arith.constant 0 : i32
        %dma_start3A_143 = arith.constant 0 : i32
        %dma_start3A_144 = tpu.memref_slice %arg10[%dma_start3A_142, %dma_start3A_143] : memref<10240x128xf32, #tpu.memory_space<vmem_shared>> -> memref<10240x128xf32, #tpu.memory_space<vmem_shared>>
        tpu.enqueue_indirect_dma source(%arg8 : memref<80x128xf32, #tpu.memory_space<vmem>>) target(%dma_start3A_144 : memref<10240x128xf32, #tpu.memory_space<vmem_shared>>) offsets(%dma_start3A_141 : memref<80xi32, #tpu.memory_space<vmem>>) semaphore(%run_scoped3A_138 : memref<!tpu.dma_semaphore, #tpu.memory_space<semaphore_mem>>) {add = true}
        %dma_wait3A_145 = arith.constant 0 : i32
        %dma_wait3A_146 = tpu.memref_slice %arg7[%add3A_109, %dma_wait3A_145] : memref<125x80xi32, #tpu.memory_space<vmem>> -> memref<1x80xi32, #tpu.memory_space<vmem>>
        %dma_wait3A_147 = tpu.memref_squeeze %dma_wait3A_146 : memref<1x80xi32, #tpu.memory_space<vmem>> -> memref<80xi32, #tpu.memory_space<vmem>>
        %dma_wait3A_148 = arith.constant 0 : i32
        %dma_wait3A_149 = arith.constant 0 : i32
        %dma_wait3A_150 = tpu.memref_slice %arg10[%dma_wait3A_148, %dma_wait3A_149] : memref<10240x128xf32, #tpu.memory_space<vmem_shared>> -> memref<10240x128xf32, #tpu.memory_space<vmem_shared>>
        tpu.wait_indirect_dma semaphore(%run_scoped3A_138 : memref<!tpu.dma_semaphore, #tpu.memory_space<semaphore_mem>>) src(%arg8 : memref<80x128xf32, #tpu.memory_space<vmem>>) dst(%dma_wait3A_150 : memref<10240x128xf32, #tpu.memory_space<vmem_shared>>)
        tpu.yield
      }) : () -> ()
      %mul3A_120 = arith.constant 2 : i32
      %mul3A_121 = arith.muli %scan3A_104, %mul3A_120 : i32
      %add3A_122 = arith.constant 1 : i32
      %add3A_123 = arith.addi %mul3A_121, %add3A_122 : i32
      %add3A_124 = arith.constant 1 : i32
      %add3A_125 = arith.addi %add3A_123, %add3A_124 : i32
      %lt3A_126 = arith.constant 125 : i32
      %lt3A_127 = arith.cmpi slt, %add3A_125, %lt3A_126 : i32
      %convert_element_type3A_128 = arith.extui %lt3A_127 : i1 to i32
      %cond3A_129 = arith.constant 0 : i32
      %cond3A_130 = arith.cmpi ne, %convert_element_type3A_128, %cond3A_129 : i32
      scf.if %cond3A_130 {
        %mul3A_138 = arith.constant 80 : i32
        %mul3A_139 = arith.muli %add3A_125, %mul3A_138 : i32
        %dma_start3A_140 = tpu.memref_slice %arg6[%mul3A_139] : memref<10000xi32, #tpu.memory_space<vmem>> -> memref<80xi32, #tpu.memory_space<vmem>>
        %dma_start3A_141 = arith.constant 0 : i32
        %dma_start3A_142 = arith.constant 0 : i32
        %dma_start3A_143 = tpu.memref_slice %arg2[%dma_start3A_141, %dma_start3A_142] : memref<10240x128xf32, #tpu.memory_space<hbm>> -> memref<10240x128xf32, #tpu.memory_space<hbm>>
        tpu.enqueue_indirect_dma source(%dma_start3A_143 : memref<10240x128xf32, #tpu.memory_space<hbm>>) target(%arg8 : memref<80x128xf32, #tpu.memory_space<vmem>>) offsets(%dma_start3A_140 : memref<80xi32, #tpu.memory_space<vmem>>) semaphore(%arg11 : memref<!tpu.dma_semaphore, #tpu.memory_space<semaphore_mem>>)
      } else {
      }
      %mul3A_131 = arith.constant 80 : i32
      %mul3A_132 = arith.muli %add3A_123, %mul3A_131 : i32
      %dma_wait3A_133 = tpu.memref_slice %arg6[%mul3A_132] : memref<10000xi32, #tpu.memory_space<vmem>> -> memref<80xi32, #tpu.memory_space<vmem>>
      %dma_wait3A_134 = arith.constant 0 : i32
      %dma_wait3A_135 = arith.constant 0 : i32
      %dma_wait3A_136 = tpu.memref_slice %arg2[%dma_wait3A_134, %dma_wait3A_135] : memref<10240x128xf32, #tpu.memory_space<hbm>> -> memref<10240x128xf32, #tpu.memory_space<hbm>>
      tpu.wait_indirect_dma semaphore(%arg12 : memref<!tpu.dma_semaphore, #tpu.memory_space<semaphore_mem>>) src(%dma_wait3A_136 : memref<10240x128xf32, #tpu.memory_space<hbm>>) dst(%arg9 : memref<80x128xf32, #tpu.memory_space<vmem>>)
      "tpu.region"() ({
        %run_scoped3A_138 = tpu.sem_alloc : memref<!tpu.dma_semaphore, #tpu.memory_space<semaphore_mem>>
        %dma_start3A_139 = arith.constant 0 : i32
        %dma_start3A_140 = tpu.memref_slice %arg7[%add3A_123, %dma_start3A_139] : memref<125x80xi32, #tpu.memory_space<vmem>> -> memref<1x80xi32, #tpu.memory_space<vmem>>
        %dma_start3A_141 = tpu.memref_squeeze %dma_start3A_140 : memref<1x80xi32, #tpu.memory_space<vmem>> -> memref<80xi32, #tpu.memory_space<vmem>>
        %dma_start3A_142 = arith.constant 0 : i32
        %dma_start3A_143 = arith.constant 0 : i32
        %dma_start3A_144 = tpu.memref_slice %arg10[%dma_start3A_142, %dma_start3A_143] : memref<10240x128xf32, #tpu.memory_space<vmem_shared>> -> memref<10240x128xf32, #tpu.memory_space<vmem_shared>>
        tpu.enqueue_indirect_dma source(%arg9 : memref<80x128xf32, #tpu.memory_space<vmem>>) target(%dma_start3A_144 : memref<10240x128xf32, #tpu.memory_space<vmem_shared>>) offsets(%dma_start3A_141 : memref<80xi32, #tpu.memory_space<vmem>>) semaphore(%run_scoped3A_138 : memref<!tpu.dma_semaphore, #tpu.memory_space<semaphore_mem>>) {add = true}
        %dma_wait3A_145 = arith.constant 0 : i32
        %dma_wait3A_146 = tpu.memref_slice %arg7[%add3A_123, %dma_wait3A_145] : memref<125x80xi32, #tpu.memory_space<vmem>> -> memref<1x80xi32, #tpu.memory_space<vmem>>
        %dma_wait3A_147 = tpu.memref_squeeze %dma_wait3A_146 : memref<1x80xi32, #tpu.memory_space<vmem>> -> memref<80xi32, #tpu.memory_space<vmem>>
        %dma_wait3A_148 = arith.constant 0 : i32
        %dma_wait3A_149 = arith.constant 0 : i32
        %dma_wait3A_150 = tpu.memref_slice %arg10[%dma_wait3A_148, %dma_wait3A_149] : memref<10240x128xf32, #tpu.memory_space<vmem_shared>> -> memref<10240x128xf32, #tpu.memory_space<vmem_shared>>
        tpu.wait_indirect_dma semaphore(%run_scoped3A_138 : memref<!tpu.dma_semaphore, #tpu.memory_space<semaphore_mem>>) src(%arg9 : memref<80x128xf32, #tpu.memory_space<vmem>>) dst(%dma_wait3A_150 : memref<10240x128xf32, #tpu.memory_space<vmem_shared>>)
        tpu.yield
      }) : () -> ()
      %scan3A_137 = arith.constant 0 : i32
      scf.yield %scan3A_137 : i32
    }
    %scan3A_77 = arith.constant 62 : i32
    %dma_wait3A_78 = arith.constant 9920 : i32
    %dma_wait3A_79 = tpu.memref_slice %arg6[%dma_wait3A_78] : memref<10000xi32, #tpu.memory_space<vmem>> -> memref<80xi32, #tpu.memory_space<vmem>>
    %dma_wait3A_80 = arith.constant 0 : i32
    %dma_wait3A_81 = arith.constant 0 : i32
    %dma_wait3A_82 = tpu.memref_slice %arg2[%dma_wait3A_80, %dma_wait3A_81] : memref<10240x128xf32, #tpu.memory_space<hbm>> -> memref<10240x128xf32, #tpu.memory_space<hbm>>
    tpu.wait_indirect_dma semaphore(%arg11 : memref<!tpu.dma_semaphore, #tpu.memory_space<semaphore_mem>>) src(%dma_wait3A_82 : memref<10240x128xf32, #tpu.memory_space<hbm>>) dst(%arg8 : memref<80x128xf32, #tpu.memory_space<vmem>>)
    %run_scoped3A = arith.constant 124 : i32
    "tpu.region"() ({
      %run_scoped3A_104 = tpu.sem_alloc : memref<!tpu.dma_semaphore, #tpu.memory_space<semaphore_mem>>
      %dma_start3A_105 = arith.constant 0 : i32
      %dma_start3A_106 = tpu.memref_slice %arg7[%run_scoped3A, %dma_start3A_105] : memref<125x80xi32, #tpu.memory_space<vmem>> -> memref<1x80xi32, #tpu.memory_space<vmem>>
      %dma_start3A_107 = tpu.memref_squeeze %dma_start3A_106 : memref<1x80xi32, #tpu.memory_space<vmem>> -> memref<80xi32, #tpu.memory_space<vmem>>
      %dma_start3A_108 = arith.constant 0 : i32
      %dma_start3A_109 = arith.constant 0 : i32
      %dma_start3A_110 = tpu.memref_slice %arg10[%dma_start3A_108, %dma_start3A_109] : memref<10240x128xf32, #tpu.memory_space<vmem_shared>> -> memref<10240x128xf32, #tpu.memory_space<vmem_shared>>
      tpu.enqueue_indirect_dma source(%arg8 : memref<80x128xf32, #tpu.memory_space<vmem>>) target(%dma_start3A_110 : memref<10240x128xf32, #tpu.memory_space<vmem_shared>>) offsets(%dma_start3A_107 : memref<80xi32, #tpu.memory_space<vmem>>) semaphore(%run_scoped3A_104 : memref<!tpu.dma_semaphore, #tpu.memory_space<semaphore_mem>>) {add = true}
      %dma_wait3A_111 = arith.constant 0 : i32
      %dma_wait3A_112 = tpu.memref_slice %arg7[%run_scoped3A, %dma_wait3A_111] : memref<125x80xi32, #tpu.memory_space<vmem>> -> memref<1x80xi32, #tpu.memory_space<vmem>>
      %dma_wait3A_113 = tpu.memref_squeeze %dma_wait3A_112 : memref<1x80xi32, #tpu.memory_space<vmem>> -> memref<80xi32, #tpu.memory_space<vmem>>
      %dma_wait3A_114 = arith.constant 0 : i32
      %dma_wait3A_115 = arith.constant 0 : i32
      %dma_wait3A_116 = tpu.memref_slice %arg10[%dma_wait3A_114, %dma_wait3A_115] : memref<10240x128xf32, #tpu.memory_space<vmem_shared>> -> memref<10240x128xf32, #tpu.memory_space<vmem_shared>>
      tpu.wait_indirect_dma semaphore(%run_scoped3A_104 : memref<!tpu.dma_semaphore, #tpu.memory_space<semaphore_mem>>) src(%arg8 : memref<80x128xf32, #tpu.memory_space<vmem>>) dst(%dma_wait3A_116 : memref<10240x128xf32, #tpu.memory_space<vmem_shared>>)
      tpu.yield
    }) : () -> ()
    %barrier3A_83 = arith.constant 0 : index
    tpu.barrier barrier_id(%barrier3A_83)
    %mul3A_84 = arith.constant 640 : i32
    %mul3A_85 = arith.muli %arg1, %mul3A_84 : i32
    %add3A_86 = arith.constant 0 : i32
    %add3A_87 = arith.addi %mul3A_85, %add3A_86 : i32
    "tpu.region"() ({
      %run_scoped3A_104 = tpu.sem_alloc : memref<!tpu.dma_semaphore, #tpu.memory_space<semaphore_mem>>
      %dma_start3A_105 = arith.constant 0 : i32
      %dma_start3A_106 = tpu.memref_slice %arg5[%arg0, %add3A_87, %dma_start3A_105] : memref<2x10240x128xf32, #tpu.memory_space<hbm>> -> memref<1x128x128xf32, #tpu.memory_space<hbm>>
      %dma_start3A_107 = tpu.memref_squeeze %dma_start3A_106 : memref<1x128x128xf32, #tpu.memory_space<hbm>> -> memref<128x128xf32, #tpu.memory_space<hbm>>
      %dma_start3A_108 = arith.constant 0 : i32
      %dma_start3A_109 = tpu.memref_slice %arg10[%add3A_87, %dma_start3A_108] : memref<10240x128xf32, #tpu.memory_space<vmem_shared>> -> memref<128x128xf32, #tpu.memory_space<vmem_shared>>
      tpu.enqueue_dma source(%dma_start3A_109 : memref<128x128xf32, #tpu.memory_space<vmem_shared>>) target(%dma_start3A_107 : memref<128x128xf32, #tpu.memory_space<hbm>>) target_semaphore(%run_scoped3A_104 : memref<!tpu.dma_semaphore, #tpu.memory_space<semaphore_mem>>)
      %dma_wait3A_110 = arith.constant 0 : i32
      %dma_wait3A_111 = tpu.memref_slice %arg5[%arg0, %add3A_87, %dma_wait3A_110] : memref<2x10240x128xf32, #tpu.memory_space<hbm>> -> memref<1x128x128xf32, #tpu.memory_space<hbm>>
      %dma_wait3A_112 = tpu.memref_squeeze %dma_wait3A_111 : memref<1x128x128xf32, #tpu.memory_space<hbm>> -> memref<128x128xf32, #tpu.memory_space<hbm>>
      %dma_wait3A_113 = arith.constant 0 : i32
      %dma_wait3A_114 = tpu.memref_slice %arg10[%add3A_87, %dma_wait3A_113] : memref<10240x128xf32, #tpu.memory_space<vmem_shared>> -> memref<128x128xf32, #tpu.memory_space<vmem_shared>>
      tpu.wait_dma2 semaphore(%run_scoped3A_104 : memref<!tpu.dma_semaphore, #tpu.memory_space<semaphore_mem>>) src(%dma_wait3A_114 : memref<128x128xf32, #tpu.memory_space<vmem_shared>>) dst(%dma_wait3A_112 : memref<128x128xf32, #tpu.memory_space<hbm>>)
      tpu.yield
    }) : () -> ()
    %mul3A_88 = arith.constant 640 : i32
    %mul3A_89 = arith.muli %arg1, %mul3A_88 : i32
    %add3A_90 = arith.constant 128 : i32
    %add3A_91 = arith.addi %mul3A_89, %add3A_90 : i32
    "tpu.region"() ({
      %run_scoped3A_104 = tpu.sem_alloc : memref<!tpu.dma_semaphore, #tpu.memory_space<semaphore_mem>>
      %dma_start3A_105 = arith.constant 0 : i32
      %dma_start3A_106 = tpu.memref_slice %arg5[%arg0, %add3A_91, %dma_start3A_105] : memref<2x10240x128xf32, #tpu.memory_space<hbm>> -> memref<1x128x128xf32, #tpu.memory_space<hbm>>
      %dma_start3A_107 = tpu.memref_squeeze %dma_start3A_106 : memref<1x128x128xf32, #tpu.memory_space<hbm>> -> memref<128x128xf32, #tpu.memory_space<hbm>>
      %dma_start3A_108 = arith.constant 0 : i32
      %dma_start3A_109 = tpu.memref_slice %arg10[%add3A_91, %dma_start3A_108] : memref<10240x128xf32, #tpu.memory_space<vmem_shared>> -> memref<128x128xf32, #tpu.memory_space<vmem_shared>>
      tpu.enqueue_dma source(%dma_start3A_109 : memref<128x128xf32, #tpu.memory_space<vmem_shared>>) target(%dma_start3A_107 : memref<128x128xf32, #tpu.memory_space<hbm>>) target_semaphore(%run_scoped3A_104 : memref<!tpu.dma_semaphore, #tpu.memory_space<semaphore_mem>>)
      %dma_wait3A_110 = arith.constant 0 : i32
      %dma_wait3A_111 = tpu.memref_slice %arg5[%arg0, %add3A_91, %dma_wait3A_110] : memref<2x10240x128xf32, #tpu.memory_space<hbm>> -> memref<1x128x128xf32, #tpu.memory_space<hbm>>
      %dma_wait3A_112 = tpu.memref_squeeze %dma_wait3A_111 : memref<1x128x128xf32, #tpu.memory_space<hbm>> -> memref<128x128xf32, #tpu.memory_space<hbm>>
      %dma_wait3A_113 = arith.constant 0 : i32
      %dma_wait3A_114 = tpu.memref_slice %arg10[%add3A_91, %dma_wait3A_113] : memref<10240x128xf32, #tpu.memory_space<vmem_shared>> -> memref<128x128xf32, #tpu.memory_space<vmem_shared>>
      tpu.wait_dma2 semaphore(%run_scoped3A_104 : memref<!tpu.dma_semaphore, #tpu.memory_space<semaphore_mem>>) src(%dma_wait3A_114 : memref<128x128xf32, #tpu.memory_space<vmem_shared>>) dst(%dma_wait3A_112 : memref<128x128xf32, #tpu.memory_space<hbm>>)
      tpu.yield
    }) : () -> ()
    %mul3A_92 = arith.constant 640 : i32
    %mul3A_93 = arith.muli %arg1, %mul3A_92 : i32
    %add3A_94 = arith.constant 256 : i32
    %add3A_95 = arith.addi %mul3A_93, %add3A_94 : i32
    "tpu.region"() ({
      %run_scoped3A_104 = tpu.sem_alloc : memref<!tpu.dma_semaphore, #tpu.memory_space<semaphore_mem>>
      %dma_start3A_105 = arith.constant 0 : i32
      %dma_start3A_106 = tpu.memref_slice %arg5[%arg0, %add3A_95, %dma_start3A_105] : memref<2x10240x128xf32, #tpu.memory_space<hbm>> -> memref<1x128x128xf32, #tpu.memory_space<hbm>>
      %dma_start3A_107 = tpu.memref_squeeze %dma_start3A_106 : memref<1x128x128xf32, #tpu.memory_space<hbm>> -> memref<128x128xf32, #tpu.memory_space<hbm>>
      %dma_start3A_108 = arith.constant 0 : i32
      %dma_start3A_109 = tpu.memref_slice %arg10[%add3A_95, %dma_start3A_108] : memref<10240x128xf32, #tpu.memory_space<vmem_shared>> -> memref<128x128xf32, #tpu.memory_space<vmem_shared>>
      tpu.enqueue_dma source(%dma_start3A_109 : memref<128x128xf32, #tpu.memory_space<vmem_shared>>) target(%dma_start3A_107 : memref<128x128xf32, #tpu.memory_space<hbm>>) target_semaphore(%run_scoped3A_104 : memref<!tpu.dma_semaphore, #tpu.memory_space<semaphore_mem>>)
      %dma_wait3A_110 = arith.constant 0 : i32
      %dma_wait3A_111 = tpu.memref_slice %arg5[%arg0, %add3A_95, %dma_wait3A_110] : memref<2x10240x128xf32, #tpu.memory_space<hbm>> -> memref<1x128x128xf32, #tpu.memory_space<hbm>>
      %dma_wait3A_112 = tpu.memref_squeeze %dma_wait3A_111 : memref<1x128x128xf32, #tpu.memory_space<hbm>> -> memref<128x128xf32, #tpu.memory_space<hbm>>
      %dma_wait3A_113 = arith.constant 0 : i32
      %dma_wait3A_114 = tpu.memref_slice %arg10[%add3A_95, %dma_wait3A_113] : memref<10240x128xf32, #tpu.memory_space<vmem_shared>> -> memref<128x128xf32, #tpu.memory_space<vmem_shared>>
      tpu.wait_dma2 semaphore(%run_scoped3A_104 : memref<!tpu.dma_semaphore, #tpu.memory_space<semaphore_mem>>) src(%dma_wait3A_114 : memref<128x128xf32, #tpu.memory_space<vmem_shared>>) dst(%dma_wait3A_112 : memref<128x128xf32, #tpu.memory_space<hbm>>)
      tpu.yield
    }) : () -> ()
    %mul3A_96 = arith.constant 640 : i32
    %mul3A_97 = arith.muli %arg1, %mul3A_96 : i32
    %add3A_98 = arith.constant 384 : i32
    %add3A_99 = arith.addi %mul3A_97, %add3A_98 : i32
    "tpu.region"() ({
      %run_scoped3A_104 = tpu.sem_alloc : memref<!tpu.dma_semaphore, #tpu.memory_space<semaphore_mem>>
      %dma_start3A_105 = arith.constant 0 : i32
      %dma_start3A_106 = tpu.memref_slice %arg5[%arg0, %add3A_99, %dma_start3A_105] : memref<2x10240x128xf32, #tpu.memory_space<hbm>> -> memref<1x128x128xf32, #tpu.memory_space<hbm>>
      %dma_start3A_107 = tpu.memref_squeeze %dma_start3A_106 : memref<1x128x128xf32, #tpu.memory_space<hbm>> -> memref<128x128xf32, #tpu.memory_space<hbm>>
      %dma_start3A_108 = arith.constant 0 : i32
      %dma_start3A_109 = tpu.memref_slice %arg10[%add3A_99, %dma_start3A_108] : memref<10240x128xf32, #tpu.memory_space<vmem_shared>> -> memref<128x128xf32, #tpu.memory_space<vmem_shared>>
      tpu.enqueue_dma source(%dma_start3A_109 : memref<128x128xf32, #tpu.memory_space<vmem_shared>>) target(%dma_start3A_107 : memref<128x128xf32, #tpu.memory_space<hbm>>) target_semaphore(%run_scoped3A_104 : memref<!tpu.dma_semaphore, #tpu.memory_space<semaphore_mem>>)
      %dma_wait3A_110 = arith.constant 0 : i32
      %dma_wait3A_111 = tpu.memref_slice %arg5[%arg0, %add3A_99, %dma_wait3A_110] : memref<2x10240x128xf32, #tpu.memory_space<hbm>> -> memref<1x128x128xf32, #tpu.memory_space<hbm>>
      %dma_wait3A_112 = tpu.memref_squeeze %dma_wait3A_111 : memref<1x128x128xf32, #tpu.memory_space<hbm>> -> memref<128x128xf32, #tpu.memory_space<hbm>>
      %dma_wait3A_113 = arith.constant 0 : i32
      %dma_wait3A_114 = tpu.memref_slice %arg10[%add3A_99, %dma_wait3A_113] : memref<10240x128xf32, #tpu.memory_space<vmem_shared>> -> memref<128x128xf32, #tpu.memory_space<vmem_shared>>
      tpu.wait_dma2 semaphore(%run_scoped3A_104 : memref<!tpu.dma_semaphore, #tpu.memory_space<semaphore_mem>>) src(%dma_wait3A_114 : memref<128x128xf32, #tpu.memory_space<vmem_shared>>) dst(%dma_wait3A_112 : memref<128x128xf32, #tpu.memory_space<hbm>>)
      tpu.yield
    }) : () -> ()
    %mul3A_100 = arith.constant 640 : i32
    %mul3A_101 = arith.muli %arg1, %mul3A_100 : i32
    %add3A_102 = arith.constant 512 : i32
    %add3A_103 = arith.addi %mul3A_101, %add3A_102 : i32
    "tpu.region"() ({
      %run_scoped3A_104 = tpu.sem_alloc : memref<!tpu.dma_semaphore, #tpu.memory_space<semaphore_mem>>
      %dma_start3A_105 = arith.constant 0 : i32
      %dma_start3A_106 = tpu.memref_slice %arg5[%arg0, %add3A_103, %dma_start3A_105] : memref<2x10240x128xf32, #tpu.memory_space<hbm>> -> memref<1x128x128xf32, #tpu.memory_space<hbm>>
      %dma_start3A_107 = tpu.memref_squeeze %dma_start3A_106 : memref<1x128x128xf32, #tpu.memory_space<hbm>> -> memref<128x128xf32, #tpu.memory_space<hbm>>
      %dma_start3A_108 = arith.constant 0 : i32
      %dma_start3A_109 = tpu.memref_slice %arg10[%add3A_103, %dma_start3A_108] : memref<10240x128xf32, #tpu.memory_space<vmem_shared>> -> memref<128x128xf32, #tpu.memory_space<vmem_shared>>
      tpu.enqueue_dma source(%dma_start3A_109 : memref<128x128xf32, #tpu.memory_space<vmem_shared>>) target(%dma_start3A_107 : memref<128x128xf32, #tpu.memory_space<hbm>>) target_semaphore(%run_scoped3A_104 : memref<!tpu.dma_semaphore, #tpu.memory_space<semaphore_mem>>)
      %dma_wait3A_110 = arith.constant 0 : i32
      %dma_wait3A_111 = tpu.memref_slice %arg5[%arg0, %add3A_103, %dma_wait3A_110] : memref<2x10240x128xf32, #tpu.memory_space<hbm>> -> memref<1x128x128xf32, #tpu.memory_space<hbm>>
      %dma_wait3A_112 = tpu.memref_squeeze %dma_wait3A_111 : memref<1x128x128xf32, #tpu.memory_space<hbm>> -> memref<128x128xf32, #tpu.memory_space<hbm>>
      %dma_wait3A_113 = arith.constant 0 : i32
      %dma_wait3A_114 = tpu.memref_slice %arg10[%add3A_103, %dma_wait3A_113] : memref<10240x128xf32, #tpu.memory_space<vmem_shared>> -> memref<128x128xf32, #tpu.memory_space<vmem_shared>>
      tpu.wait_dma2 semaphore(%run_scoped3A_104 : memref<!tpu.dma_semaphore, #tpu.memory_space<semaphore_mem>>) src(%dma_wait3A_114 : memref<128x128xf32, #tpu.memory_space<vmem_shared>>) dst(%dma_wait3A_112 : memref<128x128xf32, #tpu.memory_space<hbm>>)
      tpu.yield
    }) : () -> ()
    return
  }
}

#map = affine_map<(d0, d1) -> (0, 0)>
#map1 = affine_map<(d0, d1) -> (0, 0, 0)>
module attributes {stable_mosaic.version = 14 : i64} {
  func.func @agg_kernel(%arg0: i32, %arg1: i32, %arg2: memref<10240x128xf32, #tpu.memory_space<hbm>>, %arg3: memref<32x10000xi32, #tpu.memory_space<hbm>>, %arg4: memref<32x125x80xi32, #tpu.memory_space<hbm>>, %arg5: memref<2x10240x128xf32, #tpu.memory_space<hbm>>, %arg6: memref<10000xi32, #tpu.memory_space<vmem>>, %arg7: memref<125x80xi32, #tpu.memory_space<vmem>>, %arg8: memref<80x128xf32, #tpu.memory_space<vmem>>, %arg9: memref<80x128xf32, #tpu.memory_space<vmem>>, %arg10: memref<10240x128xf32, #tpu.memory_space<vmem_shared>>, %arg11: memref<!tpu.dma_semaphore, #tpu.memory_space<semaphore_mem>>, %arg12: memref<!tpu.dma_semaphore, #tpu.memory_space<semaphore_mem>>) attributes {dimension_semantics = [#tpu.dimension_semantics<core_parallel>, #tpu.dimension_semantics<subcore_parallel>], iteration_bounds = array<i64: 2, 16>, scalar_prefetch = 0 : i64, scratch_operands = 7 : i64, tpu.core_type = #tpu.core_type<sc_vector_subcore>, window_params = [{transform_indices = #map}, {transform_indices = #map}, {transform_indices = #map1}, {transform_indices = #map1}]} {
    %mul3A = arith.constant 16 : i32
    %mul3A_0 = arith.muli %arg0, %mul3A : i32
    %add3A = arith.addi %mul3A_0, %arg1 : i32
    %dma_start3A = arith.constant 0 : i32
    %dma_start3A_1 = tpu.memref_slice %arg3[%add3A, %dma_start3A] : memref<32x10000xi32, #tpu.memory_space<hbm>> -> memref<1x10000xi32, #tpu.memory_space<hbm>>
    %dma_start3A_2 = tpu.memref_squeeze %dma_start3A_1 : memref<1x10000xi32, #tpu.memory_space<hbm>> -> memref<10000xi32, #tpu.memory_space<hbm>>
    %dma_start3A_3 = arith.constant 0 : i32
    %dma_start3A_4 = tpu.memref_slice %arg3[%add3A, %dma_start3A_3] : memref<32x10000xi32, #tpu.memory_space<hbm>> -> memref<1x10000xi32, #tpu.memory_space<hbm>>
    %dma_start3A_5 = tpu.memref_squeeze %dma_start3A_4 : memref<1x10000xi32, #tpu.memory_space<hbm>> -> memref<10000xi32, #tpu.memory_space<hbm>>
    tpu.enqueue_dma source(%dma_start3A_5 : memref<10000xi32, #tpu.memory_space<hbm>>) target(%arg6 : memref<10000xi32, #tpu.memory_space<vmem>>) target_semaphore(%arg11 : memref<!tpu.dma_semaphore, #tpu.memory_space<semaphore_mem>>)
    %dma_start3A_6 = arith.constant 0 : i32
    %dma_start3A_7 = arith.constant 0 : i32
    %dma_start3A_8 = tpu.memref_slice %arg4[%add3A, %dma_start3A_6, %dma_start3A_7] : memref<32x125x80xi32, #tpu.memory_space<hbm>> -> memref<1x125x80xi32, #tpu.memory_space<hbm>>
    %dma_start3A_9 = tpu.memref_squeeze %dma_start3A_8 : memref<1x125x80xi32, #tpu.memory_space<hbm>> -> memref<125x80xi32, #tpu.memory_space<hbm>>
    %dma_start3A_10 = arith.constant 0 : i32
    %dma_start3A_11 = arith.constant 0 : i32
    %dma_start3A_12 = tpu.memref_slice %arg4[%add3A, %dma_start3A_10, %dma_start3A_11] : memref<32x125x80xi32, #tpu.memory_space<hbm>> -> memref<1x125x80xi32, #tpu.memory_space<hbm>>
    %dma_start3A_13 = tpu.memref_squeeze %dma_start3A_12 : memref<1x125x80xi32, #tpu.memory_space<hbm>> -> memref<125x80xi32, #tpu.memory_space<hbm>>
    tpu.enqueue_dma source(%dma_start3A_13 : memref<125x80xi32, #tpu.memory_space<hbm>>) target(%arg7 : memref<125x80xi32, #tpu.memory_space<vmem>>) target_semaphore(%arg12 : memref<!tpu.dma_semaphore, #tpu.memory_space<semaphore_mem>>)
    %broadcast_in_dim3A = arith.constant 0.000000e+00 : f32
    %broadcast_in_dim3A_14 = vector.broadcast %broadcast_in_dim3A : f32 to vector<16xf32>
    %scan3A = arith.constant 0 : i32
    %scan3A_15 = arith.constant 0 : i32
    %scan3A_16 = arith.constant 80 : i32
    %scan3A_17 = arith.addi %scan3A_15, %scan3A_16 : i32
    %scan3A_18 = arith.constant 1 : i32
    %scan3A_19 = scf.for %scan3A_104 = %scan3A_15 to %scan3A_17 step %scan3A_18 iter_args(%scan3A_105 = %scan3A) -> (i32)  : i32 {
      %swap3A = arith.index_cast %scan3A_104 : i32 to index
      %swap3A_106 = arith.constant 0 : index
      %swap3A_107 = tpu.vector_load %arg8[%swap3A, %swap3A_106] {strides = array<i32>} : memref<80x128xf32, #tpu.memory_space<vmem>>, vector<16xf32>,
      tpu.vector_store %arg8[%swap3A, %swap3A_106], %broadcast_in_dim3A_14 {strides = array<i32>} : memref<80x128xf32, #tpu.memory_space<vmem>>, vector<16xf32>,
      %swap3A_108 = arith.index_cast %scan3A_104 : i32 to index
      %swap3A_109 = arith.constant 16 : index
      %swap3A_110 = tpu.vector_load %arg8[%swap3A_108, %swap3A_109] {strides = array<i32>} : memref<80x128xf32, #tpu.memory_space<vmem>>, vector<16xf32>,
      tpu.vector_store %arg8[%swap3A_108, %swap3A_109], %broadcast_in_dim3A_14 {strides = array<i32>} : memref<80x128xf32, #tpu.memory_space<vmem>>, vector<16xf32>,
      %swap3A_111 = arith.index_cast %scan3A_104 : i32 to index
      %swap3A_112 = arith.constant 32 : index
      %swap3A_113 = tpu.vector_load %arg8[%swap3A_111, %swap3A_112] {strides = array<i32>} : memref<80x128xf32, #tpu.memory_space<vmem>>, vector<16xf32>,
      tpu.vector_store %arg8[%swap3A_111, %swap3A_112], %broadcast_in_dim3A_14 {strides = array<i32>} : memref<80x128xf32, #tpu.memory_space<vmem>>, vector<16xf32>,
      %swap3A_114 = arith.index_cast %scan3A_104 : i32 to index
      %swap3A_115 = arith.constant 48 : index
      %swap3A_116 = tpu.vector_load %arg8[%swap3A_114, %swap3A_115] {strides = array<i32>} : memref<80x128xf32, #tpu.memory_space<vmem>>, vector<16xf32>,
      tpu.vector_store %arg8[%swap3A_114, %swap3A_115], %broadcast_in_dim3A_14 {strides = array<i32>} : memref<80x128xf32, #tpu.memory_space<vmem>>, vector<16xf32>,
      %swap3A_117 = arith.index_cast %scan3A_104 : i32 to index
      %swap3A_118 = arith.constant 64 : index
      %swap3A_119 = tpu.vector_load %arg8[%swap3A_117, %swap3A_118] {strides = array<i32>} : memref<80x128xf32, #tpu.memory_space<vmem>>, vector<16xf32>,
      tpu.vector_store %arg8[%swap3A_117, %swap3A_118], %broadcast_in_dim3A_14 {strides = array<i32>} : memref<80x128xf32, #tpu.memory_space<vmem>>, vector<16xf32>,
      %swap3A_120 = arith.index_cast %scan3A_104 : i32 to index
      %swap3A_121 = arith.constant 80 : index
      %swap3A_122 = tpu.vector_load %arg8[%swap3A_120, %swap3A_121] {strides = array<i32>} : memref<80x128xf32, #tpu.memory_space<vmem>>, vector<16xf32>,
      tpu.vector_store %arg8[%swap3A_120, %swap3A_121], %broadcast_in_dim3A_14 {strides = array<i32>} : memref<80x128xf32, #tpu.memory_space<vmem>>, vector<16xf32>,
      %swap3A_123 = arith.index_cast %scan3A_104 : i32 to index
      %swap3A_124 = arith.constant 96 : index
      %swap3A_125 = tpu.vector_load %arg8[%swap3A_123, %swap3A_124] {strides = array<i32>} : memref<80x128xf32, #tpu.memory_space<vmem>>, vector<16xf32>,
      tpu.vector_store %arg8[%swap3A_123, %swap3A_124], %broadcast_in_dim3A_14 {strides = array<i32>} : memref<80x128xf32, #tpu.memory_space<vmem>>, vector<16xf32>,
      %swap3A_126 = arith.index_cast %scan3A_104 : i32 to index
      %swap3A_127 = arith.constant 112 : index
      %swap3A_128 = tpu.vector_load %arg8[%swap3A_126, %swap3A_127] {strides = array<i32>} : memref<80x128xf32, #tpu.memory_space<vmem>>, vector<16xf32>,
      tpu.vector_store %arg8[%swap3A_126, %swap3A_127], %broadcast_in_dim3A_14 {strides = array<i32>} : memref<80x128xf32, #tpu.memory_space<vmem>>, vector<16xf32>,
      %scan3A_129 = arith.constant 0 : i32
      scf.yield %scan3A_129 : i32
    }
    %scan3A_20 = arith.constant 80 : i32
    %mul3A_21 = arith.constant 640 : i32
    %mul3A_22 = arith.muli %arg1, %mul3A_21 : i32
    %add3A_23 = arith.constant 0 : i32
    %add3A_24 = arith.addi %mul3A_22, %add3A_23 : i32
    "tpu.region"() ({
      %run_scoped3A_104 = tpu.sem_alloc : memref<!tpu.dma_semaphore, #tpu.memory_space<semaphore_mem>>
      %dma_start3A_105 = arith.constant 0 : i32
      %dma_start3A_106 = tpu.memref_slice %arg10[%add3A_24, %dma_start3A_105] : memref<10240x128xf32, #tpu.memory_space<vmem_shared>> -> memref<80x128xf32, #tpu.memory_space<vmem_shared>>
      %dma_start3A_107 = arith.constant 0 : i32
      %dma_start3A_108 = tpu.memref_slice %arg10[%add3A_24, %dma_start3A_107] : memref<10240x128xf32, #tpu.memory_space<vmem_shared>> -> memref<80x128xf32, #tpu.memory_space<vmem_shared>>
      tpu.enqueue_dma source(%arg8 : memref<80x128xf32, #tpu.memory_space<vmem>>) target(%dma_start3A_108 : memref<80x128xf32, #tpu.memory_space<vmem_shared>>) target_semaphore(%run_scoped3A_104 : memref<!tpu.dma_semaphore, #tpu.memory_space<semaphore_mem>>)
      %dma_wait3A_109 = arith.constant 0 : i32
      %dma_wait3A_110 = tpu.memref_slice %arg10[%add3A_24, %dma_wait3A_109] : memref<10240x128xf32, #tpu.memory_space<vmem_shared>> -> memref<80x128xf32, #tpu.memory_space<vmem_shared>>
      %dma_wait3A_111 = arith.constant 0 : i32
      %dma_wait3A_112 = tpu.memref_slice %arg10[%add3A_24, %dma_wait3A_111] : memref<10240x128xf32, #tpu.memory_space<vmem_shared>> -> memref<80x128xf32, #tpu.memory_space<vmem_shared>>
      tpu.wait_dma2 semaphore(%run_scoped3A_104 : memref<!tpu.dma_semaphore, #tpu.memory_space<semaphore_mem>>) src(%arg8 : memref<80x128xf32, #tpu.memory_space<vmem>>) dst(%dma_wait3A_112 : memref<80x128xf32, #tpu.memory_space<vmem_shared>>)
      tpu.yield
    }) : () -> ()
    %mul3A_25 = arith.constant 640 : i32
    %mul3A_26 = arith.muli %arg1, %mul3A_25 : i32
    %add3A_27 = arith.constant 80 : i32
    %add3A_28 = arith.addi %mul3A_26, %add3A_27 : i32
    "tpu.region"() ({
      %run_scoped3A_104 = tpu.sem_alloc : memref<!tpu.dma_semaphore, #tpu.memory_space<semaphore_mem>>
      %dma_start3A_105 = arith.constant 0 : i32
      %dma_start3A_106 = tpu.memref_slice %arg10[%add3A_28, %dma_start3A_105] : memref<10240x128xf32, #tpu.memory_space<vmem_shared>> -> memref<80x128xf32, #tpu.memory_space<vmem_shared>>
      %dma_start3A_107 = arith.constant 0 : i32
      %dma_start3A_108 = tpu.memref_slice %arg10[%add3A_28, %dma_start3A_107] : memref<10240x128xf32, #tpu.memory_space<vmem_shared>> -> memref<80x128xf32, #tpu.memory_space<vmem_shared>>
      tpu.enqueue_dma source(%arg8 : memref<80x128xf32, #tpu.memory_space<vmem>>) target(%dma_start3A_108 : memref<80x128xf32, #tpu.memory_space<vmem_shared>>) target_semaphore(%run_scoped3A_104 : memref<!tpu.dma_semaphore, #tpu.memory_space<semaphore_mem>>)
      %dma_wait3A_109 = arith.constant 0 : i32
      %dma_wait3A_110 = tpu.memref_slice %arg10[%add3A_28, %dma_wait3A_109] : memref<10240x128xf32, #tpu.memory_space<vmem_shared>> -> memref<80x128xf32, #tpu.memory_space<vmem_shared>>
      %dma_wait3A_111 = arith.constant 0 : i32
      %dma_wait3A_112 = tpu.memref_slice %arg10[%add3A_28, %dma_wait3A_111] : memref<10240x128xf32, #tpu.memory_space<vmem_shared>> -> memref<80x128xf32, #tpu.memory_space<vmem_shared>>
      tpu.wait_dma2 semaphore(%run_scoped3A_104 : memref<!tpu.dma_semaphore, #tpu.memory_space<semaphore_mem>>) src(%arg8 : memref<80x128xf32, #tpu.memory_space<vmem>>) dst(%dma_wait3A_112 : memref<80x128xf32, #tpu.memory_space<vmem_shared>>)
      tpu.yield
    }) : () -> ()
    %mul3A_29 = arith.constant 640 : i32
    %mul3A_30 = arith.muli %arg1, %mul3A_29 : i32
    %add3A_31 = arith.constant 160 : i32
    %add3A_32 = arith.addi %mul3A_30, %add3A_31 : i32
    "tpu.region"() ({
      %run_scoped3A_104 = tpu.sem_alloc : memref<!tpu.dma_semaphore, #tpu.memory_space<semaphore_mem>>
      %dma_start3A_105 = arith.constant 0 : i32
      %dma_start3A_106 = tpu.memref_slice %arg10[%add3A_32, %dma_start3A_105] : memref<10240x128xf32, #tpu.memory_space<vmem_shared>> -> memref<80x128xf32, #tpu.memory_space<vmem_shared>>
      %dma_start3A_107 = arith.constant 0 : i32
      %dma_start3A_108 = tpu.memref_slice %arg10[%add3A_32, %dma_start3A_107] : memref<10240x128xf32, #tpu.memory_space<vmem_shared>> -> memref<80x128xf32, #tpu.memory_space<vmem_shared>>
      tpu.enqueue_dma source(%arg8 : memref<80x128xf32, #tpu.memory_space<vmem>>) target(%dma_start3A_108 : memref<80x128xf32, #tpu.memory_space<vmem_shared>>) target_semaphore(%run_scoped3A_104 : memref<!tpu.dma_semaphore, #tpu.memory_space<semaphore_mem>>)
      %dma_wait3A_109 = arith.constant 0 : i32
      %dma_wait3A_110 = tpu.memref_slice %arg10[%add3A_32, %dma_wait3A_109] : memref<10240x128xf32, #tpu.memory_space<vmem_shared>> -> memref<80x128xf32, #tpu.memory_space<vmem_shared>>
      %dma_wait3A_111 = arith.constant 0 : i32
      %dma_wait3A_112 = tpu.memref_slice %arg10[%add3A_32, %dma_wait3A_111] : memref<10240x128xf32, #tpu.memory_space<vmem_shared>> -> memref<80x128xf32, #tpu.memory_space<vmem_shared>>
      tpu.wait_dma2 semaphore(%run_scoped3A_104 : memref<!tpu.dma_semaphore, #tpu.memory_space<semaphore_mem>>) src(%arg8 : memref<80x128xf32, #tpu.memory_space<vmem>>) dst(%dma_wait3A_112 : memref<80x128xf32, #tpu.memory_space<vmem_shared>>)
      tpu.yield
    }) : () -> ()
    %mul3A_33 = arith.constant 640 : i32
    %mul3A_34 = arith.muli %arg1, %mul3A_33 : i32
    %add3A_35 = arith.constant 240 : i32
    %add3A_36 = arith.addi %mul3A_34, %add3A_35 : i32
    "tpu.region"() ({
      %run_scoped3A_104 = tpu.sem_alloc : memref<!tpu.dma_semaphore, #tpu.memory_space<semaphore_mem>>
      %dma_start3A_105 = arith.constant 0 : i32
      %dma_start3A_106 = tpu.memref_slice %arg10[%add3A_36, %dma_start3A_105] : memref<10240x128xf32, #tpu.memory_space<vmem_shared>> -> memref<80x128xf32, #tpu.memory_space<vmem_shared>>
      %dma_start3A_107 = arith.constant 0 : i32
      %dma_start3A_108 = tpu.memref_slice %arg10[%add3A_36, %dma_start3A_107] : memref<10240x128xf32, #tpu.memory_space<vmem_shared>> -> memref<80x128xf32, #tpu.memory_space<vmem_shared>>
      tpu.enqueue_dma source(%arg8 : memref<80x128xf32, #tpu.memory_space<vmem>>) target(%dma_start3A_108 : memref<80x128xf32, #tpu.memory_space<vmem_shared>>) target_semaphore(%run_scoped3A_104 : memref<!tpu.dma_semaphore, #tpu.memory_space<semaphore_mem>>)
      %dma_wait3A_109 = arith.constant 0 : i32
      %dma_wait3A_110 = tpu.memref_slice %arg10[%add3A_36, %dma_wait3A_109] : memref<10240x128xf32, #tpu.memory_space<vmem_shared>> -> memref<80x128xf32, #tpu.memory_space<vmem_shared>>
      %dma_wait3A_111 = arith.constant 0 : i32
      %dma_wait3A_112 = tpu.memref_slice %arg10[%add3A_36, %dma_wait3A_111] : memref<10240x128xf32, #tpu.memory_space<vmem_shared>> -> memref<80x128xf32, #tpu.memory_space<vmem_shared>>
      tpu.wait_dma2 semaphore(%run_scoped3A_104 : memref<!tpu.dma_semaphore, #tpu.memory_space<semaphore_mem>>) src(%arg8 : memref<80x128xf32, #tpu.memory_space<vmem>>) dst(%dma_wait3A_112 : memref<80x128xf32, #tpu.memory_space<vmem_shared>>)
      tpu.yield
    }) : () -> ()
    %mul3A_37 = arith.constant 640 : i32
    %mul3A_38 = arith.muli %arg1, %mul3A_37 : i32
    %add3A_39 = arith.constant 320 : i32
    %add3A_40 = arith.addi %mul3A_38, %add3A_39 : i32
    "tpu.region"() ({
      %run_scoped3A_104 = tpu.sem_alloc : memref<!tpu.dma_semaphore, #tpu.memory_space<semaphore_mem>>
      %dma_start3A_105 = arith.constant 0 : i32
      %dma_start3A_106 = tpu.memref_slice %arg10[%add3A_40, %dma_start3A_105] : memref<10240x128xf32, #tpu.memory_space<vmem_shared>> -> memref<80x128xf32, #tpu.memory_space<vmem_shared>>
      %dma_start3A_107 = arith.constant 0 : i32
      %dma_start3A_108 = tpu.memref_slice %arg10[%add3A_40, %dma_start3A_107] : memref<10240x128xf32, #tpu.memory_space<vmem_shared>> -> memref<80x128xf32, #tpu.memory_space<vmem_shared>>
      tpu.enqueue_dma source(%arg8 : memref<80x128xf32, #tpu.memory_space<vmem>>) target(%dma_start3A_108 : memref<80x128xf32, #tpu.memory_space<vmem_shared>>) target_semaphore(%run_scoped3A_104 : memref<!tpu.dma_semaphore, #tpu.memory_space<semaphore_mem>>)
      %dma_wait3A_109 = arith.constant 0 : i32
      %dma_wait3A_110 = tpu.memref_slice %arg10[%add3A_40, %dma_wait3A_109] : memref<10240x128xf32, #tpu.memory_space<vmem_shared>> -> memref<80x128xf32, #tpu.memory_space<vmem_shared>>
      %dma_wait3A_111 = arith.constant 0 : i32
      %dma_wait3A_112 = tpu.memref_slice %arg10[%add3A_40, %dma_wait3A_111] : memref<10240x128xf32, #tpu.memory_space<vmem_shared>> -> memref<80x128xf32, #tpu.memory_space<vmem_shared>>
      tpu.wait_dma2 semaphore(%run_scoped3A_104 : memref<!tpu.dma_semaphore, #tpu.memory_space<semaphore_mem>>) src(%arg8 : memref<80x128xf32, #tpu.memory_space<vmem>>) dst(%dma_wait3A_112 : memref<80x128xf32, #tpu.memory_space<vmem_shared>>)
      tpu.yield
    }) : () -> ()
    %mul3A_41 = arith.constant 640 : i32
    %mul3A_42 = arith.muli %arg1, %mul3A_41 : i32
    %add3A_43 = arith.constant 400 : i32
    %add3A_44 = arith.addi %mul3A_42, %add3A_43 : i32
    "tpu.region"() ({
      %run_scoped3A_104 = tpu.sem_alloc : memref<!tpu.dma_semaphore, #tpu.memory_space<semaphore_mem>>
      %dma_start3A_105 = arith.constant 0 : i32
      %dma_start3A_106 = tpu.memref_slice %arg10[%add3A_44, %dma_start3A_105] : memref<10240x128xf32, #tpu.memory_space<vmem_shared>> -> memref<80x128xf32, #tpu.memory_space<vmem_shared>>
      %dma_start3A_107 = arith.constant 0 : i32
      %dma_start3A_108 = tpu.memref_slice %arg10[%add3A_44, %dma_start3A_107] : memref<10240x128xf32, #tpu.memory_space<vmem_shared>> -> memref<80x128xf32, #tpu.memory_space<vmem_shared>>
      tpu.enqueue_dma source(%arg8 : memref<80x128xf32, #tpu.memory_space<vmem>>) target(%dma_start3A_108 : memref<80x128xf32, #tpu.memory_space<vmem_shared>>) target_semaphore(%run_scoped3A_104 : memref<!tpu.dma_semaphore, #tpu.memory_space<semaphore_mem>>)
      %dma_wait3A_109 = arith.constant 0 : i32
      %dma_wait3A_110 = tpu.memref_slice %arg10[%add3A_44, %dma_wait3A_109] : memref<10240x128xf32, #tpu.memory_space<vmem_shared>> -> memref<80x128xf32, #tpu.memory_space<vmem_shared>>
      %dma_wait3A_111 = arith.constant 0 : i32
      %dma_wait3A_112 = tpu.memref_slice %arg10[%add3A_44, %dma_wait3A_111] : memref<10240x128xf32, #tpu.memory_space<vmem_shared>> -> memref<80x128xf32, #tpu.memory_space<vmem_shared>>
      tpu.wait_dma2 semaphore(%run_scoped3A_104 : memref<!tpu.dma_semaphore, #tpu.memory_space<semaphore_mem>>) src(%arg8 : memref<80x128xf32, #tpu.memory_space<vmem>>) dst(%dma_wait3A_112 : memref<80x128xf32, #tpu.memory_space<vmem_shared>>)
      tpu.yield
    }) : () -> ()
    %mul3A_45 = arith.constant 640 : i32
    %mul3A_46 = arith.muli %arg1, %mul3A_45 : i32
    %add3A_47 = arith.constant 480 : i32
    %add3A_48 = arith.addi %mul3A_46, %add3A_47 : i32
    "tpu.region"() ({
      %run_scoped3A_104 = tpu.sem_alloc : memref<!tpu.dma_semaphore, #tpu.memory_space<semaphore_mem>>
      %dma_start3A_105 = arith.constant 0 : i32
      %dma_start3A_106 = tpu.memref_slice %arg10[%add3A_48, %dma_start3A_105] : memref<10240x128xf32, #tpu.memory_space<vmem_shared>> -> memref<80x128xf32, #tpu.memory_space<vmem_shared>>
      %dma_start3A_107 = arith.constant 0 : i32
      %dma_start3A_108 = tpu.memref_slice %arg10[%add3A_48, %dma_start3A_107] : memref<10240x128xf32, #tpu.memory_space<vmem_shared>> -> memref<80x128xf32, #tpu.memory_space<vmem_shared>>
      tpu.enqueue_dma source(%arg8 : memref<80x128xf32, #tpu.memory_space<vmem>>) target(%dma_start3A_108 : memref<80x128xf32, #tpu.memory_space<vmem_shared>>) target_semaphore(%run_scoped3A_104 : memref<!tpu.dma_semaphore, #tpu.memory_space<semaphore_mem>>)
      %dma_wait3A_109 = arith.constant 0 : i32
      %dma_wait3A_110 = tpu.memref_slice %arg10[%add3A_48, %dma_wait3A_109] : memref<10240x128xf32, #tpu.memory_space<vmem_shared>> -> memref<80x128xf32, #tpu.memory_space<vmem_shared>>
      %dma_wait3A_111 = arith.constant 0 : i32
      %dma_wait3A_112 = tpu.memref_slice %arg10[%add3A_48, %dma_wait3A_111] : memref<10240x128xf32, #tpu.memory_space<vmem_shared>> -> memref<80x128xf32, #tpu.memory_space<vmem_shared>>
      tpu.wait_dma2 semaphore(%run_scoped3A_104 : memref<!tpu.dma_semaphore, #tpu.memory_space<semaphore_mem>>) src(%arg8 : memref<80x128xf32, #tpu.memory_space<vmem>>) dst(%dma_wait3A_112 : memref<80x128xf32, #tpu.memory_space<vmem_shared>>)
      tpu.yield
    }) : () -> ()
    %mul3A_49 = arith.constant 640 : i32
    %mul3A_50 = arith.muli %arg1, %mul3A_49 : i32
    %add3A_51 = arith.constant 560 : i32
    %add3A_52 = arith.addi %mul3A_50, %add3A_51 : i32
    "tpu.region"() ({
      %run_scoped3A_104 = tpu.sem_alloc : memref<!tpu.dma_semaphore, #tpu.memory_space<semaphore_mem>>
      %dma_start3A_105 = arith.constant 0 : i32
      %dma_start3A_106 = tpu.memref_slice %arg10[%add3A_52, %dma_start3A_105] : memref<10240x128xf32, #tpu.memory_space<vmem_shared>> -> memref<80x128xf32, #tpu.memory_space<vmem_shared>>
      %dma_start3A_107 = arith.constant 0 : i32
      %dma_start3A_108 = tpu.memref_slice %arg10[%add3A_52, %dma_start3A_107] : memref<10240x128xf32, #tpu.memory_space<vmem_shared>> -> memref<80x128xf32, #tpu.memory_space<vmem_shared>>
      tpu.enqueue_dma source(%arg8 : memref<80x128xf32, #tpu.memory_space<vmem>>) target(%dma_start3A_108 : memref<80x128xf32, #tpu.memory_space<vmem_shared>>) target_semaphore(%run_scoped3A_104 : memref<!tpu.dma_semaphore, #tpu.memory_space<semaphore_mem>>)
      %dma_wait3A_109 = arith.constant 0 : i32
      %dma_wait3A_110 = tpu.memref_slice %arg10[%add3A_52, %dma_wait3A_109] : memref<10240x128xf32, #tpu.memory_space<vmem_shared>> -> memref<80x128xf32, #tpu.memory_space<vmem_shared>>
      %dma_wait3A_111 = arith.constant 0 : i32
      %dma_wait3A_112 = tpu.memref_slice %arg10[%add3A_52, %dma_wait3A_111] : memref<10240x128xf32, #tpu.memory_space<vmem_shared>> -> memref<80x128xf32, #tpu.memory_space<vmem_shared>>
      tpu.wait_dma2 semaphore(%run_scoped3A_104 : memref<!tpu.dma_semaphore, #tpu.memory_space<semaphore_mem>>) src(%arg8 : memref<80x128xf32, #tpu.memory_space<vmem>>) dst(%dma_wait3A_112 : memref<80x128xf32, #tpu.memory_space<vmem_shared>>)
      tpu.yield
    }) : () -> ()
    %dma_wait3A = arith.constant 0 : i32
    %dma_wait3A_53 = tpu.memref_slice %arg3[%add3A, %dma_wait3A] : memref<32x10000xi32, #tpu.memory_space<hbm>> -> memref<1x10000xi32, #tpu.memory_space<hbm>>
    %dma_wait3A_54 = tpu.memref_squeeze %dma_wait3A_53 : memref<1x10000xi32, #tpu.memory_space<hbm>> -> memref<10000xi32, #tpu.memory_space<hbm>>
    %dma_wait3A_55 = arith.constant 0 : i32
    %dma_wait3A_56 = tpu.memref_slice %arg3[%add3A, %dma_wait3A_55] : memref<32x10000xi32, #tpu.memory_space<hbm>> -> memref<1x10000xi32, #tpu.memory_space<hbm>>
    %dma_wait3A_57 = tpu.memref_squeeze %dma_wait3A_56 : memref<1x10000xi32, #tpu.memory_space<hbm>> -> memref<10000xi32, #tpu.memory_space<hbm>>
    tpu.wait_dma2 semaphore(%arg11 : memref<!tpu.dma_semaphore, #tpu.memory_space<semaphore_mem>>) src(%dma_wait3A_57 : memref<10000xi32, #tpu.memory_space<hbm>>) dst(%arg6 : memref<10000xi32, #tpu.memory_space<vmem>>)
    %dma_wait3A_58 = arith.constant 0 : i32
    %dma_wait3A_59 = arith.constant 0 : i32
    %dma_wait3A_60 = tpu.memref_slice %arg4[%add3A, %dma_wait3A_58, %dma_wait3A_59] : memref<32x125x80xi32, #tpu.memory_space<hbm>> -> memref<1x125x80xi32, #tpu.memory_space<hbm>>
    %dma_wait3A_61 = tpu.memref_squeeze %dma_wait3A_60 : memref<1x125x80xi32, #tpu.memory_space<hbm>> -> memref<125x80xi32, #tpu.memory_space<hbm>>
    %dma_wait3A_62 = arith.constant 0 : i32
    %dma_wait3A_63 = arith.constant 0 : i32
    %dma_wait3A_64 = tpu.memref_slice %arg4[%add3A, %dma_wait3A_62, %dma_wait3A_63] : memref<32x125x80xi32, #tpu.memory_space<hbm>> -> memref<1x125x80xi32, #tpu.memory_space<hbm>>
    %dma_wait3A_65 = tpu.memref_squeeze %dma_wait3A_64 : memref<1x125x80xi32, #tpu.memory_space<hbm>> -> memref<125x80xi32, #tpu.memory_space<hbm>>
    tpu.wait_dma2 semaphore(%arg12 : memref<!tpu.dma_semaphore, #tpu.memory_space<semaphore_mem>>) src(%dma_wait3A_65 : memref<125x80xi32, #tpu.memory_space<hbm>>) dst(%arg7 : memref<125x80xi32, #tpu.memory_space<vmem>>)
    %barrier3A = arith.constant 0 : index
    tpu.barrier barrier_id(%barrier3A)
    %dma_start3A_66 = arith.constant 0 : i32
    %dma_start3A_67 = tpu.memref_slice %arg6[%dma_start3A_66] : memref<10000xi32, #tpu.memory_space<vmem>> -> memref<80xi32, #tpu.memory_space<vmem>>
    %dma_start3A_68 = arith.constant 0 : i32
    %dma_start3A_69 = arith.constant 0 : i32
    %dma_start3A_70 = tpu.memref_slice %arg2[%dma_start3A_68, %dma_start3A_69] : memref<10240x128xf32, #tpu.memory_space<hbm>> -> memref<10240x128xf32, #tpu.memory_space<hbm>>
    tpu.enqueue_indirect_dma source(%dma_start3A_70 : memref<10240x128xf32, #tpu.memory_space<hbm>>) target(%arg8 : memref<80x128xf32, #tpu.memory_space<vmem>>) offsets(%dma_start3A_67 : memref<80xi32, #tpu.memory_space<vmem>>) semaphore(%arg11 : memref<!tpu.dma_semaphore, #tpu.memory_space<semaphore_mem>>)
    %scan3A_71 = arith.constant 0 : i32
    %scan3A_72 = arith.constant 0 : i32
    %scan3A_73 = arith.constant 62 : i32
    %scan3A_74 = arith.addi %scan3A_72, %scan3A_73 : i32
    %scan3A_75 = arith.constant 1 : i32
    %scan3A_76 = scf.for %scan3A_104 = %scan3A_72 to %scan3A_74 step %scan3A_75 iter_args(%scan3A_105 = %scan3A_71) -> (i32)  : i32 {
      %mul3A_106 = arith.constant 2 : i32
      %mul3A_107 = arith.muli %scan3A_104, %mul3A_106 : i32
      %add3A_108 = arith.constant 0 : i32
      %add3A_109 = arith.addi %mul3A_107, %add3A_108 : i32
      %add3A_110 = arith.constant 1 : i32
      %add3A_111 = arith.addi %add3A_109, %add3A_110 : i32
      %lt3A = arith.constant 125 : i32
      %lt3A_112 = arith.cmpi slt, %add3A_111, %lt3A : i32
      %convert_element_type3A = arith.extui %lt3A_112 : i1 to i32
      %cond3A = arith.constant 0 : i32
      %cond3A_113 = arith.cmpi ne, %convert_element_type3A, %cond3A : i32
      scf.if %cond3A_113 {
        %mul3A_138 = arith.constant 80 : i32
        %mul3A_139 = arith.muli %add3A_111, %mul3A_138 : i32
        %dma_start3A_140 = tpu.memref_slice %arg6[%mul3A_139] : memref<10000xi32, #tpu.memory_space<vmem>> -> memref<80xi32, #tpu.memory_space<vmem>>
        %dma_start3A_141 = arith.constant 0 : i32
        %dma_start3A_142 = arith.constant 0 : i32
        %dma_start3A_143 = tpu.memref_slice %arg2[%dma_start3A_141, %dma_start3A_142] : memref<10240x128xf32, #tpu.memory_space<hbm>> -> memref<10240x128xf32, #tpu.memory_space<hbm>>
        tpu.enqueue_indirect_dma source(%dma_start3A_143 : memref<10240x128xf32, #tpu.memory_space<hbm>>) target(%arg9 : memref<80x128xf32, #tpu.memory_space<vmem>>) offsets(%dma_start3A_140 : memref<80xi32, #tpu.memory_space<vmem>>) semaphore(%arg12 : memref<!tpu.dma_semaphore, #tpu.memory_space<semaphore_mem>>)
      } else {
      }
      %mul3A_114 = arith.constant 80 : i32
      %mul3A_115 = arith.muli %add3A_109, %mul3A_114 : i32
      %dma_wait3A_116 = tpu.memref_slice %arg6[%mul3A_115] : memref<10000xi32, #tpu.memory_space<vmem>> -> memref<80xi32, #tpu.memory_space<vmem>>
      %dma_wait3A_117 = arith.constant 0 : i32
      %dma_wait3A_118 = arith.constant 0 : i32
      %dma_wait3A_119 = tpu.memref_slice %arg2[%dma_wait3A_117, %dma_wait3A_118] : memref<10240x128xf32, #tpu.memory_space<hbm>> -> memref<10240x128xf32, #tpu.memory_space<hbm>>
      tpu.wait_indirect_dma semaphore(%arg11 : memref<!tpu.dma_semaphore, #tpu.memory_space<semaphore_mem>>) src(%dma_wait3A_119 : memref<10240x128xf32, #tpu.memory_space<hbm>>) dst(%arg8 : memref<80x128xf32, #tpu.memory_space<vmem>>)
      "tpu.region"() ({
        %run_scoped3A_138 = tpu.sem_alloc : memref<!tpu.dma_semaphore, #tpu.memory_space<semaphore_mem>>
        %dma_start3A_139 = arith.constant 0 : i32
        %dma_start3A_140 = tpu.memref_slice %arg7[%add3A_109, %dma_start3A_139] : memref<125x80xi32, #tpu.memory_space<vmem>> -> memref<1x80xi32, #tpu.memory_space<vmem>>
        %dma_start3A_141 = tpu.memref_squeeze %dma_start3A_140 : memref<1x80xi32, #tpu.memory_space<vmem>> -> memref<80xi32, #tpu.memory_space<vmem>>
        %dma_start3A_142 = arith.constant 0 : i32
        %dma_start3A_143 = arith.constant 0 : i32
        %dma_start3A_144 = tpu.memref_slice %arg10[%dma_start3A_142, %dma_start3A_143] : memref<10240x128xf32, #tpu.memory_space<vmem_shared>> -> memref<10240x128xf32, #tpu.memory_space<vmem_shared>>
        tpu.enqueue_indirect_dma source(%arg8 : memref<80x128xf32, #tpu.memory_space<vmem>>) target(%dma_start3A_144 : memref<10240x128xf32, #tpu.memory_space<vmem_shared>>) offsets(%dma_start3A_141 : memref<80xi32, #tpu.memory_space<vmem>>) semaphore(%run_scoped3A_138 : memref<!tpu.dma_semaphore, #tpu.memory_space<semaphore_mem>>) {add = true}
        %dma_wait3A_145 = arith.constant 0 : i32
        %dma_wait3A_146 = tpu.memref_slice %arg7[%add3A_109, %dma_wait3A_145] : memref<125x80xi32, #tpu.memory_space<vmem>> -> memref<1x80xi32, #tpu.memory_space<vmem>>
        %dma_wait3A_147 = tpu.memref_squeeze %dma_wait3A_146 : memref<1x80xi32, #tpu.memory_space<vmem>> -> memref<80xi32, #tpu.memory_space<vmem>>
        %dma_wait3A_148 = arith.constant 0 : i32
        %dma_wait3A_149 = arith.constant 0 : i32
        %dma_wait3A_150 = tpu.memref_slice %arg10[%dma_wait3A_148, %dma_wait3A_149] : memref<10240x128xf32, #tpu.memory_space<vmem_shared>> -> memref<10240x128xf32, #tpu.memory_space<vmem_shared>>
        tpu.wait_indirect_dma semaphore(%run_scoped3A_138 : memref<!tpu.dma_semaphore, #tpu.memory_space<semaphore_mem>>) src(%arg8 : memref<80x128xf32, #tpu.memory_space<vmem>>) dst(%dma_wait3A_150 : memref<10240x128xf32, #tpu.memory_space<vmem_shared>>)
        tpu.yield
      }) : () -> ()
      %mul3A_120 = arith.constant 2 : i32
      %mul3A_121 = arith.muli %scan3A_104, %mul3A_120 : i32
      %add3A_122 = arith.constant 1 : i32
      %add3A_123 = arith.addi %mul3A_121, %add3A_122 : i32
      %add3A_124 = arith.constant 1 : i32
      %add3A_125 = arith.addi %add3A_123, %add3A_124 : i32
      %lt3A_126 = arith.constant 125 : i32
      %lt3A_127 = arith.cmpi slt, %add3A_125, %lt3A_126 : i32
      %convert_element_type3A_128 = arith.extui %lt3A_127 : i1 to i32
      %cond3A_129 = arith.constant 0 : i32
      %cond3A_130 = arith.cmpi ne, %convert_element_type3A_128, %cond3A_129 : i32
      scf.if %cond3A_130 {
        %mul3A_138 = arith.constant 80 : i32
        %mul3A_139 = arith.muli %add3A_125, %mul3A_138 : i32
        %dma_start3A_140 = tpu.memref_slice %arg6[%mul3A_139] : memref<10000xi32, #tpu.memory_space<vmem>> -> memref<80xi32, #tpu.memory_space<vmem>>
        %dma_start3A_141 = arith.constant 0 : i32
        %dma_start3A_142 = arith.constant 0 : i32
        %dma_start3A_143 = tpu.memref_slice %arg2[%dma_start3A_141, %dma_start3A_142] : memref<10240x128xf32, #tpu.memory_space<hbm>> -> memref<10240x128xf32, #tpu.memory_space<hbm>>
        tpu.enqueue_indirect_dma source(%dma_start3A_143 : memref<10240x128xf32, #tpu.memory_space<hbm>>) target(%arg8 : memref<80x128xf32, #tpu.memory_space<vmem>>) offsets(%dma_start3A_140 : memref<80xi32, #tpu.memory_space<vmem>>) semaphore(%arg11 : memref<!tpu.dma_semaphore, #tpu.memory_space<semaphore_mem>>)
      } else {
      }
      %mul3A_131 = arith.constant 80 : i32
      %mul3A_132 = arith.muli %add3A_123, %mul3A_131 : i32
      %dma_wait3A_133 = tpu.memref_slice %arg6[%mul3A_132] : memref<10000xi32, #tpu.memory_space<vmem>> -> memref<80xi32, #tpu.memory_space<vmem>>
      %dma_wait3A_134 = arith.constant 0 : i32
      %dma_wait3A_135 = arith.constant 0 : i32
      %dma_wait3A_136 = tpu.memref_slice %arg2[%dma_wait3A_134, %dma_wait3A_135] : memref<10240x128xf32, #tpu.memory_space<hbm>> -> memref<10240x128xf32, #tpu.memory_space<hbm>>
      tpu.wait_indirect_dma semaphore(%arg12 : memref<!tpu.dma_semaphore, #tpu.memory_space<semaphore_mem>>) src(%dma_wait3A_136 : memref<10240x128xf32, #tpu.memory_space<hbm>>) dst(%arg9 : memref<80x128xf32, #tpu.memory_space<vmem>>)
      "tpu.region"() ({
        %run_scoped3A_138 = tpu.sem_alloc : memref<!tpu.dma_semaphore, #tpu.memory_space<semaphore_mem>>
        %dma_start3A_139 = arith.constant 0 : i32
        %dma_start3A_140 = tpu.memref_slice %arg7[%add3A_123, %dma_start3A_139] : memref<125x80xi32, #tpu.memory_space<vmem>> -> memref<1x80xi32, #tpu.memory_space<vmem>>
        %dma_start3A_141 = tpu.memref_squeeze %dma_start3A_140 : memref<1x80xi32, #tpu.memory_space<vmem>> -> memref<80xi32, #tpu.memory_space<vmem>>
        %dma_start3A_142 = arith.constant 0 : i32
        %dma_start3A_143 = arith.constant 0 : i32
        %dma_start3A_144 = tpu.memref_slice %arg10[%dma_start3A_142, %dma_start3A_143] : memref<10240x128xf32, #tpu.memory_space<vmem_shared>> -> memref<10240x128xf32, #tpu.memory_space<vmem_shared>>
        tpu.enqueue_indirect_dma source(%arg9 : memref<80x128xf32, #tpu.memory_space<vmem>>) target(%dma_start3A_144 : memref<10240x128xf32, #tpu.memory_space<vmem_shared>>) offsets(%dma_start3A_141 : memref<80xi32, #tpu.memory_space<vmem>>) semaphore(%run_scoped3A_138 : memref<!tpu.dma_semaphore, #tpu.memory_space<semaphore_mem>>) {add = true}
        %dma_wait3A_145 = arith.constant 0 : i32
        %dma_wait3A_146 = tpu.memref_slice %arg7[%add3A_123, %dma_wait3A_145] : memref<125x80xi32, #tpu.memory_space<vmem>> -> memref<1x80xi32, #tpu.memory_space<vmem>>
        %dma_wait3A_147 = tpu.memref_squeeze %dma_wait3A_146 : memref<1x80xi32, #tpu.memory_space<vmem>> -> memref<80xi32, #tpu.memory_space<vmem>>
        %dma_wait3A_148 = arith.constant 0 : i32
        %dma_wait3A_149 = arith.constant 0 : i32
        %dma_wait3A_150 = tpu.memref_slice %arg10[%dma_wait3A_148, %dma_wait3A_149] : memref<10240x128xf32, #tpu.memory_space<vmem_shared>> -> memref<10240x128xf32, #tpu.memory_space<vmem_shared>>
        tpu.wait_indirect_dma semaphore(%run_scoped3A_138 : memref<!tpu.dma_semaphore, #tpu.memory_space<semaphore_mem>>) src(%arg9 : memref<80x128xf32, #tpu.memory_space<vmem>>) dst(%dma_wait3A_150 : memref<10240x128xf32, #tpu.memory_space<vmem_shared>>)
        tpu.yield
      }) : () -> ()
      %scan3A_137 = arith.constant 0 : i32
      scf.yield %scan3A_137 : i32
    }
    %scan3A_77 = arith.constant 62 : i32
    %dma_wait3A_78 = arith.constant 9920 : i32
    %dma_wait3A_79 = tpu.memref_slice %arg6[%dma_wait3A_78] : memref<10000xi32, #tpu.memory_space<vmem>> -> memref<80xi32, #tpu.memory_space<vmem>>
    %dma_wait3A_80 = arith.constant 0 : i32
    %dma_wait3A_81 = arith.constant 0 : i32
    %dma_wait3A_82 = tpu.memref_slice %arg2[%dma_wait3A_80, %dma_wait3A_81] : memref<10240x128xf32, #tpu.memory_space<hbm>> -> memref<10240x128xf32, #tpu.memory_space<hbm>>
    tpu.wait_indirect_dma semaphore(%arg11 : memref<!tpu.dma_semaphore, #tpu.memory_space<semaphore_mem>>) src(%dma_wait3A_82 : memref<10240x128xf32, #tpu.memory_space<hbm>>) dst(%arg8 : memref<80x128xf32, #tpu.memory_space<vmem>>)
    %run_scoped3A = arith.constant 124 : i32
    "tpu.region"() ({
      %run_scoped3A_104 = tpu.sem_alloc : memref<!tpu.dma_semaphore, #tpu.memory_space<semaphore_mem>>
      %dma_start3A_105 = arith.constant 0 : i32
      %dma_start3A_106 = tpu.memref_slice %arg7[%run_scoped3A, %dma_start3A_105] : memref<125x80xi32, #tpu.memory_space<vmem>> -> memref<1x80xi32, #tpu.memory_space<vmem>>
      %dma_start3A_107 = tpu.memref_squeeze %dma_start3A_106 : memref<1x80xi32, #tpu.memory_space<vmem>> -> memref<80xi32, #tpu.memory_space<vmem>>
      %dma_start3A_108 = arith.constant 0 : i32
      %dma_start3A_109 = arith.constant 0 : i32
      %dma_start3A_110 = tpu.memref_slice %arg10[%dma_start3A_108, %dma_start3A_109] : memref<10240x128xf32, #tpu.memory_space<vmem_shared>> -> memref<10240x128xf32, #tpu.memory_space<vmem_shared>>
      tpu.enqueue_indirect_dma source(%arg8 : memref<80x128xf32, #tpu.memory_space<vmem>>) target(%dma_start3A_110 : memref<10240x128xf32, #tpu.memory_space<vmem_shared>>) offsets(%dma_start3A_107 : memref<80xi32, #tpu.memory_space<vmem>>) semaphore(%run_scoped3A_104 : memref<!tpu.dma_semaphore, #tpu.memory_space<semaphore_mem>>) {add = true}
      %dma_wait3A_111 = arith.constant 0 : i32
      %dma_wait3A_112 = tpu.memref_slice %arg7[%run_scoped3A, %dma_wait3A_111] : memref<125x80xi32, #tpu.memory_space<vmem>> -> memref<1x80xi32, #tpu.memory_space<vmem>>
      %dma_wait3A_113 = tpu.memref_squeeze %dma_wait3A_112 : memref<1x80xi32, #tpu.memory_space<vmem>> -> memref<80xi32, #tpu.memory_space<vmem>>
      %dma_wait3A_114 = arith.constant 0 : i32
      %dma_wait3A_115 = arith.constant 0 : i32
      %dma_wait3A_116 = tpu.memref_slice %arg10[%dma_wait3A_114, %dma_wait3A_115] : memref<10240x128xf32, #tpu.memory_space<vmem_shared>> -> memref<10240x128xf32, #tpu.memory_space<vmem_shared>>
      tpu.wait_indirect_dma semaphore(%run_scoped3A_104 : memref<!tpu.dma_semaphore, #tpu.memory_space<semaphore_mem>>) src(%arg8 : memref<80x128xf32, #tpu.memory_space<vmem>>) dst(%dma_wait3A_116 : memref<10240x128xf32, #tpu.memory_space<vmem_shared>>)
      tpu.yield
    }) : () -> ()
    %barrier3A_83 = arith.constant 0 : index
    tpu.barrier barrier_id(%barrier3A_83)
    %mul3A_84 = arith.constant 640 : i32
    %mul3A_85 = arith.muli %arg1, %mul3A_84 : i32
    %add3A_86 = arith.constant 0 : i32
    %add3A_87 = arith.addi %mul3A_85, %add3A_86 : i32
    "tpu.region"() ({
      %run_scoped3A_104 = tpu.sem_alloc : memref<!tpu.dma_semaphore, #tpu.memory_space<semaphore_mem>>
      %dma_start3A_105 = arith.constant 0 : i32
      %dma_start3A_106 = tpu.memref_slice %arg5[%arg0, %add3A_87, %dma_start3A_105] : memref<2x10240x128xf32, #tpu.memory_space<hbm>> -> memref<1x128x128xf32, #tpu.memory_space<hbm>>
      %dma_start3A_107 = tpu.memref_squeeze %dma_start3A_106 : memref<1x128x128xf32, #tpu.memory_space<hbm>> -> memref<128x128xf32, #tpu.memory_space<hbm>>
      %dma_start3A_108 = arith.constant 0 : i32
      %dma_start3A_109 = tpu.memref_slice %arg10[%add3A_87, %dma_start3A_108] : memref<10240x128xf32, #tpu.memory_space<vmem_shared>> -> memref<128x128xf32, #tpu.memory_space<vmem_shared>>
      tpu.enqueue_dma source(%dma_start3A_109 : memref<128x128xf32, #tpu.memory_space<vmem_shared>>) target(%dma_start3A_107 : memref<128x128xf32, #tpu.memory_space<hbm>>) target_semaphore(%run_scoped3A_104 : memref<!tpu.dma_semaphore, #tpu.memory_space<semaphore_mem>>)
      %dma_wait3A_110 = arith.constant 0 : i32
      %dma_wait3A_111 = tpu.memref_slice %arg5[%arg0, %add3A_87, %dma_wait3A_110] : memref<2x10240x128xf32, #tpu.memory_space<hbm>> -> memref<1x128x128xf32, #tpu.memory_space<hbm>>
      %dma_wait3A_112 = tpu.memref_squeeze %dma_wait3A_111 : memref<1x128x128xf32, #tpu.memory_space<hbm>> -> memref<128x128xf32, #tpu.memory_space<hbm>>
      %dma_wait3A_113 = arith.constant 0 : i32
      %dma_wait3A_114 = tpu.memref_slice %arg10[%add3A_87, %dma_wait3A_113] : memref<10240x128xf32, #tpu.memory_space<vmem_shared>> -> memref<128x128xf32, #tpu.memory_space<vmem_shared>>
      tpu.wait_dma2 semaphore(%run_scoped3A_104 : memref<!tpu.dma_semaphore, #tpu.memory_space<semaphore_mem>>) src(%dma_wait3A_114 : memref<128x128xf32, #tpu.memory_space<vmem_shared>>) dst(%dma_wait3A_112 : memref<128x128xf32, #tpu.memory_space<hbm>>)
      tpu.yield
    }) : () -> ()
    %mul3A_88 = arith.constant 640 : i32
    %mul3A_89 = arith.muli %arg1, %mul3A_88 : i32
    %add3A_90 = arith.constant 128 : i32
    %add3A_91 = arith.addi %mul3A_89, %add3A_90 : i32
    "tpu.region"() ({
      %run_scoped3A_104 = tpu.sem_alloc : memref<!tpu.dma_semaphore, #tpu.memory_space<semaphore_mem>>
      %dma_start3A_105 = arith.constant 0 : i32
      %dma_start3A_106 = tpu.memref_slice %arg5[%arg0, %add3A_91, %dma_start3A_105] : memref<2x10240x128xf32, #tpu.memory_space<hbm>> -> memref<1x128x128xf32, #tpu.memory_space<hbm>>
      %dma_start3A_107 = tpu.memref_squeeze %dma_start3A_106 : memref<1x128x128xf32, #tpu.memory_space<hbm>> -> memref<128x128xf32, #tpu.memory_space<hbm>>
      %dma_start3A_108 = arith.constant 0 : i32
      %dma_start3A_109 = tpu.memref_slice %arg10[%add3A_91, %dma_start3A_108] : memref<10240x128xf32, #tpu.memory_space<vmem_shared>> -> memref<128x128xf32, #tpu.memory_space<vmem_shared>>
      tpu.enqueue_dma source(%dma_start3A_109 : memref<128x128xf32, #tpu.memory_space<vmem_shared>>) target(%dma_start3A_107 : memref<128x128xf32, #tpu.memory_space<hbm>>) target_semaphore(%run_scoped3A_104 : memref<!tpu.dma_semaphore, #tpu.memory_space<semaphore_mem>>)
      %dma_wait3A_110 = arith.constant 0 : i32
      %dma_wait3A_111 = tpu.memref_slice %arg5[%arg0, %add3A_91, %dma_wait3A_110] : memref<2x10240x128xf32, #tpu.memory_space<hbm>> -> memref<1x128x128xf32, #tpu.memory_space<hbm>>
      %dma_wait3A_112 = tpu.memref_squeeze %dma_wait3A_111 : memref<1x128x128xf32, #tpu.memory_space<hbm>> -> memref<128x128xf32, #tpu.memory_space<hbm>>
      %dma_wait3A_113 = arith.constant 0 : i32
      %dma_wait3A_114 = tpu.memref_slice %arg10[%add3A_91, %dma_wait3A_113] : memref<10240x128xf32, #tpu.memory_space<vmem_shared>> -> memref<128x128xf32, #tpu.memory_space<vmem_shared>>
      tpu.wait_dma2 semaphore(%run_scoped3A_104 : memref<!tpu.dma_semaphore, #tpu.memory_space<semaphore_mem>>) src(%dma_wait3A_114 : memref<128x128xf32, #tpu.memory_space<vmem_shared>>) dst(%dma_wait3A_112 : memref<128x128xf32, #tpu.memory_space<hbm>>)
      tpu.yield
    }) : () -> ()
    %mul3A_92 = arith.constant 640 : i32
    %mul3A_93 = arith.muli %arg1, %mul3A_92 : i32
    %add3A_94 = arith.constant 256 : i32
    %add3A_95 = arith.addi %mul3A_93, %add3A_94 : i32
    "tpu.region"() ({
      %run_scoped3A_104 = tpu.sem_alloc : memref<!tpu.dma_semaphore, #tpu.memory_space<semaphore_mem>>
      %dma_start3A_105 = arith.constant 0 : i32
      %dma_start3A_106 = tpu.memref_slice %arg5[%arg0, %add3A_95, %dma_start3A_105] : memref<2x10240x128xf32, #tpu.memory_space<hbm>> -> memref<1x128x128xf32, #tpu.memory_space<hbm>>
      %dma_start3A_107 = tpu.memref_squeeze %dma_start3A_106 : memref<1x128x128xf32, #tpu.memory_space<hbm>> -> memref<128x128xf32, #tpu.memory_space<hbm>>
      %dma_start3A_108 = arith.constant 0 : i32
      %dma_start3A_109 = tpu.memref_slice %arg10[%add3A_95, %dma_start3A_108] : memref<10240x128xf32, #tpu.memory_space<vmem_shared>> -> memref<128x128xf32, #tpu.memory_space<vmem_shared>>
      tpu.enqueue_dma source(%dma_start3A_109 : memref<128x128xf32, #tpu.memory_space<vmem_shared>>) target(%dma_start3A_107 : memref<128x128xf32, #tpu.memory_space<hbm>>) target_semaphore(%run_scoped3A_104 : memref<!tpu.dma_semaphore, #tpu.memory_space<semaphore_mem>>)
      %dma_wait3A_110 = arith.constant 0 : i32
      %dma_wait3A_111 = tpu.memref_slice %arg5[%arg0, %add3A_95, %dma_wait3A_110] : memref<2x10240x128xf32, #tpu.memory_space<hbm>> -> memref<1x128x128xf32, #tpu.memory_space<hbm>>
      %dma_wait3A_112 = tpu.memref_squeeze %dma_wait3A_111 : memref<1x128x128xf32, #tpu.memory_space<hbm>> -> memref<128x128xf32, #tpu.memory_space<hbm>>
      %dma_wait3A_113 = arith.constant 0 : i32
      %dma_wait3A_114 = tpu.memref_slice %arg10[%add3A_95, %dma_wait3A_113] : memref<10240x128xf32, #tpu.memory_space<vmem_shared>> -> memref<128x128xf32, #tpu.memory_space<vmem_shared>>
      tpu.wait_dma2 semaphore(%run_scoped3A_104 : memref<!tpu.dma_semaphore, #tpu.memory_space<semaphore_mem>>) src(%dma_wait3A_114 : memref<128x128xf32, #tpu.memory_space<vmem_shared>>) dst(%dma_wait3A_112 : memref<128x128xf32, #tpu.memory_space<hbm>>)
      tpu.yield
    }) : () -> ()
    %mul3A_96 = arith.constant 640 : i32
    %mul3A_97 = arith.muli %arg1, %mul3A_96 : i32
    %add3A_98 = arith.constant 384 : i32
    %add3A_99 = arith.addi %mul3A_97, %add3A_98 : i32
    "tpu.region"() ({
      %run_scoped3A_104 = tpu.sem_alloc : memref<!tpu.dma_semaphore, #tpu.memory_space<semaphore_mem>>
      %dma_start3A_105 = arith.constant 0 : i32
      %dma_start3A_106 = tpu.memref_slice %arg5[%arg0, %add3A_99, %dma_start3A_105] : memref<2x10240x128xf32, #tpu.memory_space<hbm>> -> memref<1x128x128xf32, #tpu.memory_space<hbm>>
      %dma_start3A_107 = tpu.memref_squeeze %dma_start3A_106 : memref<1x128x128xf32, #tpu.memory_space<hbm>> -> memref<128x128xf32, #tpu.memory_space<hbm>>
      %dma_start3A_108 = arith.constant 0 : i32
      %dma_start3A_109 = tpu.memref_slice %arg10[%add3A_99, %dma_start3A_108] : memref<10240x128xf32, #tpu.memory_space<vmem_shared>> -> memref<128x128xf32, #tpu.memory_space<vmem_shared>>
      tpu.enqueue_dma source(%dma_start3A_109 : memref<128x128xf32, #tpu.memory_space<vmem_shared>>) target(%dma_start3A_107 : memref<128x128xf32, #tpu.memory_space<hbm>>) target_semaphore(%run_scoped3A_104 : memref<!tpu.dma_semaphore, #tpu.memory_space<semaphore_mem>>)
      %dma_wait3A_110 = arith.constant 0 : i32
      %dma_wait3A_111 = tpu.memref_slice %arg5[%arg0, %add3A_99, %dma_wait3A_110] : memref<2x10240x128xf32, #tpu.memory_space<hbm>> -> memref<1x128x128xf32, #tpu.memory_space<hbm>>
      %dma_wait3A_112 = tpu.memref_squeeze %dma_wait3A_111 : memref<1x128x128xf32, #tpu.memory_space<hbm>> -> memref<128x128xf32, #tpu.memory_space<hbm>>
      %dma_wait3A_113 = arith.constant 0 : i32
      %dma_wait3A_114 = tpu.memref_slice %arg10[%add3A_99, %dma_wait3A_113] : memref<10240x128xf32, #tpu.memory_space<vmem_shared>> -> memref<128x128xf32, #tpu.memory_space<vmem_shared>>
      tpu.wait_dma2 semaphore(%run_scoped3A_104 : memref<!tpu.dma_semaphore, #tpu.memory_space<semaphore_mem>>) src(%dma_wait3A_114 : memref<128x128xf32, #tpu.memory_space<vmem_shared>>) dst(%dma_wait3A_112 : memref<128x128xf32, #tpu.memory_space<hbm>>)
      tpu.yield
    }) : () -> ()
    %mul3A_100 = arith.constant 640 : i32
    %mul3A_101 = arith.muli %arg1, %mul3A_100 : i32
    %add3A_102 = arith.constant 512 : i32
    %add3A_103 = arith.addi %mul3A_101, %add3A_102 : i32
    "tpu.region"() ({
      %run_scoped3A_104 = tpu.sem_alloc : memref<!tpu.dma_semaphore, #tpu.memory_space<semaphore_mem>>
      %dma_start3A_105 = arith.constant 0 : i32
      %dma_start3A_106 = tpu.memref_slice %arg5[%arg0, %add3A_103, %dma_start3A_105] : memref<2x10240x128xf32, #tpu.memory_space<hbm>> -> memref<1x128x128xf32, #tpu.memory_space<hbm>>
      %dma_start3A_107 = tpu.memref_squeeze %dma_start3A_106 : memref<1x128x128xf32, #tpu.memory_space<hbm>> -> memref<128x128xf32, #tpu.memory_space<hbm>>
      %dma_start3A_108 = arith.constant 0 : i32
      %dma_start3A_109 = tpu.memref_slice %arg10[%add3A_103, %dma_start3A_108] : memref<10240x128xf32, #tpu.memory_space<vmem_shared>> -> memref<128x128xf32, #tpu.memory_space<vmem_shared>>
      tpu.enqueue_dma source(%dma_start3A_109 : memref<128x128xf32, #tpu.memory_space<vmem_shared>>) target(%dma_start3A_107 : memref<128x128xf32, #tpu.memory_space<hbm>>) target_semaphore(%run_scoped3A_104 : memref<!tpu.dma_semaphore, #tpu.memory_space<semaphore_mem>>)
      %dma_wait3A_110 = arith.constant 0 : i32
      %dma_wait3A_111 = tpu.memref_slice %arg5[%arg0, %add3A_103, %dma_wait3A_110] : memref<2x10240x128xf32, #tpu.memory_space<hbm>> -> memref<1x128x128xf32, #tpu.memory_space<hbm>>
      %dma_wait3A_112 = tpu.memref_squeeze %dma_wait3A_111 : memref<1x128x128xf32, #tpu.memory_space<hbm>> -> memref<128x128xf32, #tpu.memory_space<hbm>>
      %dma_wait3A_113 = arith.constant 0 : i32
      %dma_wait3A_114 = tpu.memref_slice %arg10[%add3A_103, %dma_wait3A_113] : memref<10240x128xf32, #tpu.memory_space<vmem_shared>> -> memref<128x128xf32, #tpu.memory_space<vmem_shared>>
      tpu.wait_dma2 semaphore(%run_scoped3A_104 : memref<!tpu.dma_semaphore, #tpu.memory_space<semaphore_mem>>) src(%dma_wait3A_114 : memref<128x128xf32, #tpu.memory_space<vmem_shared>>) dst(%dma_wait3A_112 : memref<128x128xf32, #tpu.memory_space<hbm>>)
      tpu.yield
    }) : () -> ()
    return
  }
}

module attributes {stable_mosaic.version = 14 : i64} {
  func.func @_tc_mm_body(%arg0: memref<10000x128xf32, #tpu.memory_space<vmem>>, %arg1: memref<128x128xf32, #tpu.memory_space<vmem>>, %arg2: memref<10000x128xf32, #tpu.memory_space<vmem>>) attributes {dimension_semantics = [], scalar_prefetch = 0 : i64, scratch_operands = 0 : i64, tpu.core_type = #tpu.core_type<tc>} {
    %get3A = arith.constant 0 : index
    %get3A_0 = arith.constant 0 : index
    %get3A_1 = vector.load %arg0[%get3A, %get3A_0] : memref<10000x128xf32, #tpu.memory_space<vmem>>, vector<10000x128xf32>
    %get3A_2 = arith.constant 0 : index
    %get3A_3 = arith.constant 0 : index
    %get3A_4 = vector.load %arg1[%get3A_2, %get3A_3] : memref<128x128xf32, #tpu.memory_space<vmem>>, vector<128x128xf32>
    %dot_general3A = arith.constant dense<0.000000e+00> : vector<10000x128xf32>
    %dot_general3A_5 = tpu.matmul %get3A_1, %get3A_4, %dot_general3A {dimension_numbers = #tpu.dot_dimension_numbers<[1], [0], [0], [1], [0, 0, 1, 1], [], []>, transpose_lhs_hint = false} : vector<10000x128xf32>, vector<128x128xf32>, vector<10000x128xf32> -> vector<10000x128xf32>
    %swap3A = arith.constant 0 : index
    %swap3A_6 = arith.constant 0 : index
    %swap3A_7 = vector.load %arg2[%swap3A, %swap3A_6] : memref<10000x128xf32, #tpu.memory_space<vmem>>, vector<10000x128xf32>
    tpu.vector_store %arg2[%swap3A, %swap3A_6], %dot_general3A_5 {strides = array<i32>} : memref<10000x128xf32, #tpu.memory_space<vmem>>, vector<10000x128xf32>,
    return
  }
}

module attributes {stable_mosaic.version = 14 : i64} {
  func.func @_tc_scale_body(%arg0: memref<2x32x10000xf32, #tpu.memory_space<vmem>>, %arg1: memref<10000x128xf32, #tpu.memory_space<vmem>>, %arg2: memref<10240x128xf32, #tpu.memory_space<vmem>>, %arg3: memref<1x10000xf32, #tpu.memory_space<vmem>>, %arg4: memref<1x10000xf32, #tpu.memory_space<vmem>>) attributes {dimension_semantics = [], scalar_prefetch = 0 : i64, scratch_operands = 0 : i64, tpu.core_type = #tpu.core_type<tc>} {
    %get3A = arith.constant 0 : index
    %get3A_0 = arith.constant 0 : index
    %get3A_1 = arith.constant 0 : index
    %get3A_2 = vector.load %arg0[%get3A, %get3A_0, %get3A_1] : memref<2x32x10000xf32, #tpu.memory_space<vmem>>, vector<2x32x10000xf32>
    %reduce_sum3A = arith.constant dense<0.000000e+00> : vector<2x10000xf32>
    %reduce_sum3A_3 = vector.multi_reduction <add>, %get3A_2, %reduce_sum3A [1] : vector<2x32x10000xf32> to vector<2x10000xf32>
    %slice3A = vector.extract_strided_slice %reduce_sum3A_3 {offsets = [0, 0], sizes = [1, 10000], strides = [1, 1]} : vector<2x10000xf32> to vector<1x10000xf32>
    %squeeze3A = vector.shape_cast %slice3A : vector<1x10000xf32> to vector<10000xf32>
    %max3A = arith.constant 1.000000e+00 : f32
    %max3A_4 = vector.broadcast %max3A : f32 to vector<10000xf32>
    %max3A_5 = arith.maximumf %squeeze3A, %max3A_4 : vector<10000xf32>
    %rsqrt3A = math.rsqrt %max3A_5 : vector<10000xf32>
    %slice3A_6 = vector.extract_strided_slice %reduce_sum3A_3 {offsets = [1, 0], sizes = [1, 10000], strides = [1, 1]} : vector<2x10000xf32> to vector<1x10000xf32>
    %squeeze3A_7 = vector.shape_cast %slice3A_6 : vector<1x10000xf32> to vector<10000xf32>
    %max3A_8 = arith.constant 1.000000e+00 : f32
    %max3A_9 = vector.broadcast %max3A_8 : f32 to vector<10000xf32>
    %max3A_10 = arith.maximumf %squeeze3A_7, %max3A_9 : vector<10000xf32>
    %rsqrt3A_11 = math.rsqrt %max3A_10 : vector<10000xf32>
    %broadcast_in_dim3A = vector.shape_cast %rsqrt3A : vector<10000xf32> to vector<1x10000xf32>
    %swap3A = arith.constant 0 : index
    %swap3A_12 = arith.constant 0 : index
    %swap3A_13 = vector.load %arg3[%swap3A, %swap3A_12] : memref<1x10000xf32, #tpu.memory_space<vmem>>, vector<1x10000xf32>
    tpu.vector_store %arg3[%swap3A, %swap3A_12], %broadcast_in_dim3A {strides = array<i32>} : memref<1x10000xf32, #tpu.memory_space<vmem>>, vector<1x10000xf32>,
    %broadcast_in_dim3A_14 = vector.shape_cast %rsqrt3A_11 : vector<10000xf32> to vector<1x10000xf32>
    %swap3A_15 = arith.constant 0 : index
    %swap3A_16 = arith.constant 0 : index
    %swap3A_17 = vector.load %arg4[%swap3A_15, %swap3A_16] : memref<1x10000xf32, #tpu.memory_space<vmem>>, vector<1x10000xf32>
    tpu.vector_store %arg4[%swap3A_15, %swap3A_16], %broadcast_in_dim3A_14 {strides = array<i32>} : memref<1x10000xf32, #tpu.memory_space<vmem>>, vector<1x10000xf32>,
    %get3A_18 = arith.constant 0 : index
    %get3A_19 = arith.constant 0 : index
    %get3A_20 = vector.load %arg1[%get3A_18, %get3A_19] : memref<10000x128xf32, #tpu.memory_space<vmem>>, vector<10000x128xf32>
    %broadcast_in_dim3A_21 = vector.shape_cast %rsqrt3A : vector<10000xf32> to vector<10000x1xf32>
    %mul3A = vector.broadcast %broadcast_in_dim3A_21 : vector<10000x1xf32> to vector<10000x128xf32>
    %mul3A_22 = arith.mulf %get3A_20, %mul3A : vector<10000x128xf32>
    %broadcast_in_dim3A_23 = arith.constant 0.000000e+00 : f32
    %broadcast_in_dim3A_24 = vector.broadcast %broadcast_in_dim3A_23 : f32 to vector<240x128xf32>
    %concatenate3A = tpu.concatenate %mul3A_22, %broadcast_in_dim3A_24 in 0 : vector<10000x128xf32>, vector<240x128xf32> -> vector<10240x128xf32>
    %swap3A_25 = arith.constant 0 : index
    %swap3A_26 = arith.constant 0 : index
    %swap3A_27 = vector.load %arg2[%swap3A_25, %swap3A_26] : memref<10240x128xf32, #tpu.memory_space<vmem>>, vector<10240x128xf32>
    tpu.vector_store %arg2[%swap3A_25, %swap3A_26], %concatenate3A {strides = array<i32>} : memref<10240x128xf32, #tpu.memory_space<vmem>>, vector<10240x128xf32>,
    return
  }
}

module attributes {stable_mosaic.version = 14 : i64} {
  func.func @_tc_mid_body(%arg0: memref<2x10240x128xf32, #tpu.memory_space<vmem>>, %arg1: memref<1x10000xf32, #tpu.memory_space<vmem>>, %arg2: memref<1x128xf32, #tpu.memory_space<vmem>>, %arg3: memref<1x128xf32, #tpu.memory_space<vmem>>, %arg4: memref<1x128xf32, #tpu.memory_space<vmem>>, %arg5: memref<128x128xf32, #tpu.memory_space<vmem>>, %arg6: memref<1x10000xf32, #tpu.memory_space<vmem>>, %arg7: memref<10240x128xf32, #tpu.memory_space<vmem>>) attributes {dimension_semantics = [], scalar_prefetch = 0 : i64, scratch_operands = 0 : i64, tpu.core_type = #tpu.core_type<tc>} {
    %get3A = arith.constant 0 : index
    %get3A_0 = arith.constant 0 : index
    %get3A_1 = arith.constant 0 : index
    %get3A_2 = vector.load %arg0[%get3A, %get3A_0, %get3A_1] : memref<2x10240x128xf32, #tpu.memory_space<vmem>>, vector<2x10240x128xf32>
    %slice3A = vector.extract_strided_slice %get3A_2 {offsets = [0, 0, 0], sizes = [1, 10000, 128], strides = [1, 1, 1]} : vector<2x10240x128xf32> to vector<1x10000x128xf32>
    %squeeze3A = vector.shape_cast %slice3A : vector<1x10000x128xf32> to vector<10000x128xf32>
    %slice3A_3 = vector.extract_strided_slice %get3A_2 {offsets = [1, 0, 0], sizes = [1, 10000, 128], strides = [1, 1, 1]} : vector<2x10240x128xf32> to vector<1x10000x128xf32>
    %squeeze3A_4 = vector.shape_cast %slice3A_3 : vector<1x10000x128xf32> to vector<10000x128xf32>
    %add3A = arith.addf %squeeze3A, %squeeze3A_4 : vector<10000x128xf32>
    %get3A_5 = arith.constant 0 : index
    %get3A_6 = arith.constant 0 : index
    %get3A_7 = vector.load %arg1[%get3A_5, %get3A_6] : memref<1x10000xf32, #tpu.memory_space<vmem>>, vector<1x10000xf32>
    %get3A_8 = vector.shape_cast %get3A_7 : vector<1x10000xf32> to vector<10000xf32>
    %broadcast_in_dim3A = vector.shape_cast %get3A_8 : vector<10000xf32> to vector<10000x1xf32>
    %mul3A = vector.broadcast %broadcast_in_dim3A : vector<10000x1xf32> to vector<10000x128xf32>
    %mul3A_9 = arith.mulf %add3A, %mul3A : vector<10000x128xf32>
    %get3A_10 = arith.constant 0 : index
    %get3A_11 = arith.constant 0 : index
    %get3A_12 = vector.load %arg2[%get3A_10, %get3A_11] : memref<1x128xf32, #tpu.memory_space<vmem>>, vector<1x128xf32>
    %get3A_13 = vector.shape_cast %get3A_12 : vector<1x128xf32> to vector<128xf32>
    %broadcast_in_dim3A_14 = vector.shape_cast %get3A_13 : vector<128xf32> to vector<1x128xf32>
    %add3A_15 = vector.broadcast %broadcast_in_dim3A_14 : vector<1x128xf32> to vector<10000x128xf32>
    %add3A_16 = arith.addf %mul3A_9, %add3A_15 : vector<10000x128xf32>
    %reduce_sum3A = arith.constant dense<0.000000e+00> : vector<128xf32>
    %reduce_sum3A_17 = vector.multi_reduction <add>, %add3A_16, %reduce_sum3A [0] : vector<10000x128xf32> to vector<128xf32>
    %div3A = arith.constant 1.000000e+04 : f32
    %div3A_18 = vector.broadcast %div3A : f32 to vector<128xf32>
    %div3A_19 = arith.divf %reduce_sum3A_17, %div3A_18 : vector<128xf32>
    %broadcast_in_dim3A_20 = vector.shape_cast %div3A_19 : vector<128xf32> to vector<1x128xf32>
    %sub3A = vector.broadcast %broadcast_in_dim3A_20 : vector<1x128xf32> to vector<10000x128xf32>
    %sub3A_21 = arith.subf %add3A_16, %sub3A : vector<10000x128xf32>
    %mul3A_22 = arith.mulf %sub3A_21, %sub3A_21 : vector<10000x128xf32>
    %reduce_sum3A_23 = arith.constant dense<0.000000e+00> : vector<128xf32>
    %reduce_sum3A_24 = vector.multi_reduction <add>, %mul3A_22, %reduce_sum3A_23 [0] : vector<10000x128xf32> to vector<128xf32>
    %div3A_25 = arith.constant 1.000000e+04 : f32
    %div3A_26 = vector.broadcast %div3A_25 : f32 to vector<128xf32>
    %div3A_27 = arith.divf %reduce_sum3A_24, %div3A_26 : vector<128xf32>
    %add3A_28 = arith.constant 9.99999974E-6 : f32
    %add3A_29 = vector.broadcast %add3A_28 : f32 to vector<128xf32>
    %add3A_30 = arith.addf %div3A_27, %add3A_29 : vector<128xf32>
    %rsqrt3A = math.rsqrt %add3A_30 : vector<128xf32>
    %broadcast_in_dim3A_31 = vector.shape_cast %rsqrt3A : vector<128xf32> to vector<1x128xf32>
    %mul3A_32 = vector.broadcast %broadcast_in_dim3A_31 : vector<1x128xf32> to vector<10000x128xf32>
    %mul3A_33 = arith.mulf %sub3A_21, %mul3A_32 : vector<10000x128xf32>
    %get3A_34 = arith.constant 0 : index
    %get3A_35 = arith.constant 0 : index
    %get3A_36 = vector.load %arg3[%get3A_34, %get3A_35] : memref<1x128xf32, #tpu.memory_space<vmem>>, vector<1x128xf32>
    %get3A_37 = vector.shape_cast %get3A_36 : vector<1x128xf32> to vector<128xf32>
    %broadcast_in_dim3A_38 = vector.shape_cast %get3A_37 : vector<128xf32> to vector<1x128xf32>
    %mul3A_39 = vector.broadcast %broadcast_in_dim3A_38 : vector<1x128xf32> to vector<10000x128xf32>
    %mul3A_40 = arith.mulf %mul3A_33, %mul3A_39 : vector<10000x128xf32>
    %get3A_41 = arith.constant 0 : index
    %get3A_42 = arith.constant 0 : index
    %get3A_43 = vector.load %arg4[%get3A_41, %get3A_42] : memref<1x128xf32, #tpu.memory_space<vmem>>, vector<1x128xf32>
    %get3A_44 = vector.shape_cast %get3A_43 : vector<1x128xf32> to vector<128xf32>
    %broadcast_in_dim3A_45 = vector.shape_cast %get3A_44 : vector<128xf32> to vector<1x128xf32>
    %add3A_46 = vector.broadcast %broadcast_in_dim3A_45 : vector<1x128xf32> to vector<10000x128xf32>
    %add3A_47 = arith.addf %mul3A_40, %add3A_46 : vector<10000x128xf32>
    %max3A = arith.constant 0.000000e+00 : f32
    %max3A_48 = vector.broadcast %max3A : f32 to vector<10000x128xf32>
    %max3A_49 = arith.maximumf %add3A_47, %max3A_48 : vector<10000x128xf32>
    %get3A_50 = arith.constant 0 : index
    %get3A_51 = arith.constant 0 : index
    %get3A_52 = vector.load %arg5[%get3A_50, %get3A_51] : memref<128x128xf32, #tpu.memory_space<vmem>>, vector<128x128xf32>
    %dot_general3A = arith.constant dense<0.000000e+00> : vector<10000x128xf32>
    %dot_general3A_53 = tpu.matmul %max3A_49, %get3A_52, %dot_general3A {dimension_numbers = #tpu.dot_dimension_numbers<[1], [0], [0], [1], [0, 0, 1, 1], [], []>, transpose_lhs_hint = false} : vector<10000x128xf32>, vector<128x128xf32>, vector<10000x128xf32> -> vector<10000x128xf32>
    %get3A_54 = arith.constant 0 : index
    %get3A_55 = arith.constant 0 : index
    %get3A_56 = vector.load %arg6[%get3A_54, %get3A_55] : memref<1x10000xf32, #tpu.memory_space<vmem>>, vector<1x10000xf32>
    %get3A_57 = vector.shape_cast %get3A_56 : vector<1x10000xf32> to vector<10000xf32>
    %broadcast_in_dim3A_58 = vector.shape_cast %get3A_57 : vector<10000xf32> to vector<10000x1xf32>
    %mul3A_59 = vector.broadcast %broadcast_in_dim3A_58 : vector<10000x1xf32> to vector<10000x128xf32>
    %mul3A_60 = arith.mulf %dot_general3A_53, %mul3A_59 : vector<10000x128xf32>
    %broadcast_in_dim3A_61 = arith.constant 0.000000e+00 : f32
    %broadcast_in_dim3A_62 = vector.broadcast %broadcast_in_dim3A_61 : f32 to vector<240x128xf32>
    %concatenate3A = tpu.concatenate %mul3A_60, %broadcast_in_dim3A_62 in 0 : vector<10000x128xf32>, vector<240x128xf32> -> vector<10240x128xf32>
    %swap3A = arith.constant 0 : index
    %swap3A_63 = arith.constant 0 : index
    %swap3A_64 = vector.load %arg7[%swap3A, %swap3A_63] : memref<10240x128xf32, #tpu.memory_space<vmem>>, vector<10240x128xf32>
    tpu.vector_store %arg7[%swap3A, %swap3A_63], %concatenate3A {strides = array<i32>} : memref<10240x128xf32, #tpu.memory_space<vmem>>, vector<10240x128xf32>,
    return
  }
}

module attributes {stable_mosaic.version = 14 : i64} {
  func.func @_tc_out_body(%arg0: memref<2x10240x128xf32, #tpu.memory_space<vmem>>, %arg1: memref<1x10000xf32, #tpu.memory_space<vmem>>, %arg2: memref<1x128xf32, #tpu.memory_space<vmem>>, %arg3: memref<10000x128xf32, #tpu.memory_space<vmem>>) attributes {dimension_semantics = [], scalar_prefetch = 0 : i64, scratch_operands = 0 : i64, tpu.core_type = #tpu.core_type<tc>} {
    %get3A = arith.constant 0 : index
    %get3A_0 = arith.constant 0 : index
    %get3A_1 = arith.constant 0 : index
    %get3A_2 = vector.load %arg0[%get3A, %get3A_0, %get3A_1] : memref<2x10240x128xf32, #tpu.memory_space<vmem>>, vector<2x10240x128xf32>
    %slice3A = vector.extract_strided_slice %get3A_2 {offsets = [0, 0, 0], sizes = [1, 10000, 128], strides = [1, 1, 1]} : vector<2x10240x128xf32> to vector<1x10000x128xf32>
    %squeeze3A = vector.shape_cast %slice3A : vector<1x10000x128xf32> to vector<10000x128xf32>
    %slice3A_3 = vector.extract_strided_slice %get3A_2 {offsets = [1, 0, 0], sizes = [1, 10000, 128], strides = [1, 1, 1]} : vector<2x10240x128xf32> to vector<1x10000x128xf32>
    %squeeze3A_4 = vector.shape_cast %slice3A_3 : vector<1x10000x128xf32> to vector<10000x128xf32>
    %add3A = arith.addf %squeeze3A, %squeeze3A_4 : vector<10000x128xf32>
    %get3A_5 = arith.constant 0 : index
    %get3A_6 = arith.constant 0 : index
    %get3A_7 = vector.load %arg1[%get3A_5, %get3A_6] : memref<1x10000xf32, #tpu.memory_space<vmem>>, vector<1x10000xf32>
    %get3A_8 = vector.shape_cast %get3A_7 : vector<1x10000xf32> to vector<10000xf32>
    %broadcast_in_dim3A = vector.shape_cast %get3A_8 : vector<10000xf32> to vector<10000x1xf32>
    %mul3A = vector.broadcast %broadcast_in_dim3A : vector<10000x1xf32> to vector<10000x128xf32>
    %mul3A_9 = arith.mulf %add3A, %mul3A : vector<10000x128xf32>
    %get3A_10 = arith.constant 0 : index
    %get3A_11 = arith.constant 0 : index
    %get3A_12 = vector.load %arg2[%get3A_10, %get3A_11] : memref<1x128xf32, #tpu.memory_space<vmem>>, vector<1x128xf32>
    %get3A_13 = vector.shape_cast %get3A_12 : vector<1x128xf32> to vector<128xf32>
    %broadcast_in_dim3A_14 = vector.shape_cast %get3A_13 : vector<128xf32> to vector<1x128xf32>
    %add3A_15 = vector.broadcast %broadcast_in_dim3A_14 : vector<1x128xf32> to vector<10000x128xf32>
    %add3A_16 = arith.addf %mul3A_9, %add3A_15 : vector<10000x128xf32>
    %swap3A = arith.constant 0 : index
    %swap3A_17 = arith.constant 0 : index
    %swap3A_18 = vector.load %arg3[%swap3A, %swap3A_17] : memref<10000x128xf32, #tpu.memory_space<vmem>>, vector<10000x128xf32>
    tpu.vector_store %arg3[%swap3A, %swap3A_17], %add3A_16 {strides = array<i32>} : memref<10000x128xf32, #tpu.memory_space<vmem>>, vector<10000x128xf32>,
    return
  }
}

</mosaic_0001>

<sc_bundles>
// kernel: _run.12.cloned.1.call-start
scs
__scs_entry_jumppad:
0x0: {  	(pc) =	sbr.rel $0x88, $3  }
0x1: {  	(tag) =	ssettag $0x0;
	lr =	simm.s32 $0x1  }
0x2: {  	[smem:$0x3F99] =	sst lr;
	_ =	strace $0xD0000000  }
0x3: {  	_ = 	snop  }
0x4: {  	_ = 	snop  }
0x5: {  	_ = 	snop  }
0x6: {  	_ = 	snop  }
0x7: {  	_ = 	snop  }
__scs_overlays_trampoline_lowered:
0x8: {  	[smem:$0x3FA8] =	sst s0  }
0x9: {  	[smem:$0x3FA9] =	sst s1  }
0xa: {  	[smem:$0x3FAA] =	sst s2  }
0xb: {  	[smem:$0x3FAB] =	sst s3  }
0xc: {  	[smem:$0x3FAC] =	sst s4  }
0xd: {  	[smem:$0x3FAD] =	sst s5  }
0xe: {  	[smem:$0x3FAE] =	sst s6  }
0xf: {  	[smem:$0x3FAF] =	sst s7  }
0x10: {  	[smem:$0x3FB0] =	sst s8  }
0x11: {  	[smem:$0x3FB1] =	sst s9;
	s0 =	simm.s32 @!p0 $0x0  }
0x12: {  	s1 =	sld [smem:$0x3F97];
	s0 =	simm.s32 @p0 $0x1  }
0x13: {  	[smem:$0x3FB2] =	sst s0;
	s0 =	simm.s32 @!p1 $0x0  }
0x14: {  	s2 =	sld [smem:$0x3F96];
	s0 =	simm.s32 @p1 $0x1  }
0x15: {  	[smem:$0x3FB3] =	sst s0;
	s0 =	simm.s32 @!p2 $0x0  }
0x16: {  	s3 =	sld [smem:$0x3FDB];
	s0 =	simm.s32 @p2 $0x1  }
0x17: {  	s4 =	simm.s32 $0x1BF5;
	[smem:$0x3FB5] =	sst s0  }
0x18: {  	s0 =	sld [smem:$0x3F98];
	_ =	swait.ge [sflag:s4], $0x0  }
0x19: {  	s7 =	sld [smem:$0x3F99]  }
0x1a: {  	s8 =	sadd.s32 $0xFFFFE003, lr  }
0x1b: {  	s9 =	sadd.s32 $0xFFFFFEF7, lr;
	s5 =	simm.s32 $0xFFFFFFFF;
	p2 =	slt.u32 s8, $0xFFFFF086  }
0x1c: {  	p1 =	slt.u32 s9, $0xF7A;
	s5 =	simm.s32 @!p2 $0x0  }
0x1d: {  	s5 =	simm.s32 @p1 $0x1;
	p0 =	seq.s32 s7, s2  }
0x1e: {  	s7 =	smul.u32 @!p0 $0xF7A, s2;
	p2 =	seq.s32 @!p0 s5, $0x0  }
0x1f: {  	s9 =	smul.u32 $0xF7A, s1;
	s8 =	simm.s32 @!p0 $0x1BF5;
	p2 =	por !p2, p0  }
0x20: {  	[sflag:s8] =	ssyncset.s32 @!p0 $0xFFFFF086;
	s6 =	sadd.s32 @!p0 s3, s7;
	s7 =	simm.s32 @!p0 $0x108  }
0x21: {  	s3 =	sadd.s32 s3, s9;
	s6 =	sadd.s32 @!p0 $0x88, s6;
	s7 =	simm.s32 @p2 $0x1082  }
0x22: {  	[simem:s7], [sflag:s8] =	dma.local @!p0 [hbm:s6], $0xF7A  }
0x23: {  	s9 =	sor.u32 $0xD0000000, s2;
	s6 =	simm.s32 $0x108;
	_ =	swait.ge @!p0 [sflag:s8], $0x0  }
0x24: {  	s3 =	sadd.s32 $0x88, s3;
	s6 =	simm.s32 @!p1 $0x1082;
	[sflag:s4] =	ssyncset.s32 $0xFFFFF086  }
0x25: {  	[simem:s6], [sflag:s4] =	dma.local [hbm:s3], $0xF7A  }
0x26: {  	[smem:$0x3F99] =	sst s1;
	(tag) =	ssettag s2;
	_ =	strace s9  }
0x27: {  	s1 =	sld [smem:$0x3FA9]  }
0x28: {  	s2 =	sld [smem:$0x3FAA]  }
0x29: {  	s4 =	sld [smem:$0x3FAC]  }
0x2a: {  	p0 =	seq.s32 s5, $0x0;
	s5 =	sld [smem:$0x3FAD]  }
0x2b: {  	s6 =	sld [smem:$0x3FAE]  }
0x2c: {  	s7 =	sld [smem:$0x3FAF]  }
0x2d: {  	s3 =	simm.s32 $0x108;
	s8 =	sld [smem:$0x3FB0]  }
0x2e: {  	s3 =	simm.s32 @!p0 $0x1082;
	s9 =	sld [smem:$0x3FB1]  }
0x2f: {  	lr =	sadd.s32 s0, s3;
	s0 =	sld [smem:$0x3FA8]  }
0x30: {  	s3 =	sld [smem:$0x3FAB]  }
0x31: {  	[smem:$0x3FB4] =	sst s10  }
0x32: {  	s10 =	sld [smem:$0x3FB2];
	_ =	sdelay $0x3  }
0x33: {  	p0 =	seq.s32 s10, $0x1;
	s10 =	sld [smem:$0x3FB4];
	_ =	sdelay $0x3  }
0x34: {  	[smem:$0x3FB4] =	sst s10  }
0x35: {  	s10 =	sld [smem:$0x3FB3];
	_ =	sdelay $0x3  }
0x36: {  	p1 =	seq.s32 s10, $0x1;
	s10 =	sld [smem:$0x3FB4];
	_ =	sdelay $0x3  }
0x37: {  	[smem:$0x3FB4] =	sst s10  }
0x38: {  	s10 =	sld [smem:$0x3FB5]  }
0x39: {  	_ = 	snop;
	(pc) =	sbr.ind lr, $3  }
0x3a: {  	_ = 	snop  }
0x3b: {  	_ = 	snop  }
0x3c: {  	p2 =	seq.s32 s10, $0x1;
	s10 =	sld [smem:$0x3FB4]  }
0x3d: {  	_ =	shalt  }
0x3e: {  	_ =	shalt  }
0x3f: {  	_ =	shalt  }
0x40: {  	_ =	shalt  }
0x41: {  	_ =	shalt  }
0x42: {  	_ =	shalt  }
0x43: {  	_ =	shalt  }
0x44: {  	_ =	shalt  }
0x45: {  	_ =	shalt  }
0x46: {  	_ =	shalt  }
0x47: {  	_ =	shalt  }
0x48: {  	_ =	shalt  }
0x49: {  	_ =	shalt  }
0x4a: {  	_ =	shalt  }
0x4b: {  	_ =	shalt  }
0x4c: {  	_ =	shalt  }
0x4d: {  	_ =	shalt  }
0x4e: {  	_ =	shalt  }
0x4f: {  	_ =	shalt  }
0x50: {  	_ =	shalt  }
0x51: {  	_ =	shalt  }
0x52: {  	_ =	shalt  }
0x53: {  	_ =	shalt  }
0x54: {  	_ =	shalt  }
0x55: {  	_ =	shalt  }
0x56: {  	_ =	shalt  }
0x57: {  	_ =	shalt  }
0x58: {  	_ =	shalt  }
0x59: {  	_ =	shalt  }
0x5a: {  	_ =	shalt  }
0x5b: {  	_ =	shalt  }
0x5c: {  	_ =	shalt  }
0x5d: {  	_ =	shalt  }
0x5e: {  	_ =	shalt  }
0x5f: {  	_ =	shalt  }
0x60: {  	_ =	shalt  }
0x61: {  	_ =	shalt  }
0x62: {  	_ =	shalt  }
0x63: {  	_ =	shalt  }
0x64: {  	_ =	shalt  }
0x65: {  	_ =	shalt  }
0x66: {  	_ =	shalt  }
0x67: {  	_ =	shalt  }
0x68: {  	_ =	shalt  }
0x69: {  	_ =	shalt  }
0x6a: {  	_ =	shalt  }
0x6b: {  	_ =	shalt  }
0x6c: {  	_ =	shalt  }
0x6d: {  	_ =	shalt  }
0x6e: {  	_ =	shalt  }
0x6f: {  	_ =	shalt  }
0x70: {  	_ =	shalt  }
0x71: {  	_ =	shalt  }
0x72: {  	_ =	shalt  }
0x73: {  	_ =	shalt  }
0x74: {  	_ =	shalt  }
0x75: {  	_ =	shalt  }
0x76: {  	_ =	shalt  }
0x77: {  	_ =	shalt  }
0x78: {  	_ =	shalt  }
0x79: {  	_ =	shalt  }
0x7a: {  	_ =	shalt  }
0x7b: {  	_ =	shalt  }
0x7c: {  	_ =	shalt  }
0x7d: {  	_ =	shalt  }
0x7e: {  	_ =	shalt  }
0x7f: {  	_ =	shalt  }
0x80: {  	_ =	shalt  }
0x81: {  	_ =	shalt  }
0x82: {  	_ =	shalt  }
0x83: {  	_ =	shalt  }
0x84: {  	_ =	shalt  }
0x85: {  	_ =	shalt  }
0x86: {  	_ =	shalt  }
0x87: {  	_ =	shalt  }
.Lfunc_end0:
.L_simem_size_0:
called_computation.1_lowered:
.L_overlay_start_0:
0x88: {  	s2 =	sld [smem:$0x3FD9]  }
0x89: {  	s3 =	sld [smem:$0x3FFE];
	_ =	sdelay $0x1  }
0x8a: {  	s1 =	srdreg.scid  }
0x8b: {  	s0 =	sand.u32 $0x1, s1  }
0x8c: {  	s16 =	sshll.u32 s0, $0xA;
	s2 =	sadd.s32 s3, s2  }
0x8d: {  	s2 =	sadd.s32 s2, s16  }
0x8e: {  	[smem:$0x3FC0] =	sst s2  }
0x8f: {  	_ = 	snop  }
0x90: {  	(tm) =	ssettm $0x1  }
0x91: {  	s17 =	sld [smem:$0x3FFB];
	_ =	sdelay $0x3  }
0x92: {  	_ =	strace s17  }
0x93: {  	s2 =	sld [smem:$0x3FFC];
	_ =	sdelay $0x3  }
0x94: {  	_ =	strace s2  }
0x95: {  	s2 =	sld [smem:$0x3FFD];
	_ =	sdelay $0x3  }
0x96: {  	_ =	strace s2  }
0x97: {  	_ =	strace $0x8FFFFFFF  }
0x98: {  	s18 =	sld [smem:$0x3FDB];
	_ =	sdelay $0x1  }
0x99: {  	s19 =	simm.s32 $_scs_section_size  }
0x9a: {  	s4 =	simm.s32 $_size__tile_overlayer_lowered;
	s5 =	simm.s32 $_tile_overlayer_lowered  }
0x9b: {  	s22 =	simm.s32 $0x1BFF;
	s21 =	sshll.u32 s5, $0x1;
	s2 =	sadd.s32 s19, s18  }
0x9c: {  	s6 =	simm.s32 $0x0;
	s20 =	sshll.u32 s4, $0x1;
	s4 =	sadd.s32 s21, s2  }
0x9d: {  	[timem:s6], [sflag:s22] =	dma.local [hbm:s4], s20  }
0x9e: {  	_ =	swait.ge [sflag:s22], s20  }
0x9f: {  	s3 =	ssub.s32 $0x0, s20;
	[sflag:s22] =	ssyncset.done $0x0  }
0xa0: {  	[sflag:s22] =	ssyncadd.s32 s3;
	_ =	sdelay $0x1  }
0xa1: {  	s23 =	simm.s32 $0x1B8B  }
0xa2: {  	_ =	swait.ge [sflag:s23], $0x1  }
0xa3: {  	[sflag:s23] =	ssyncset.done $0x0  }
0xa4: {  	s25 =	simm.s32 $0x1B8E;
	s24 =	sld [smem:$0x3FFE];
	[sflag:s23] =	ssyncadd.s32 $0xFFFFFFFF  }
0xa5: {  	s26 =	simm.s32 $execute0_lowered;
	[smem:$0x3FD2] =	sst s25  }
0xa6: {  	s4 =	sshll.u32 s26, $0x1;
	_ =	strace $0x80000049;
	[dreg:$0x1] =	wrdreg $0xFFFFFFFF  }
0xa7: {  	s28 =	simm.s32 $_size_execute0_lowered;
	s2 =	sadd.s32 s2, s4;
	[dreg:$0x0] =	wrdreg $0x0  }
0xa8: {  	s4 =	sshll.u32 s28, $0x1;
	[dreg:$0x2] =	wrdreg s2  }
0xa9: {  	[dreg:$0x3] =	wrdreg s4  }
0xaa: {  	[dreg:$0x4] =	wrdreg $0xC0  }
0xab: {  	_ =	task [dreg:s6], $0x5FFFF  }
0xac: {  	[dreg:$0x1] =	wrdreg $0xFFFFFFFF  }
0xad: {  	[dreg:$0x0] =	wrdreg $0x60  }
0xae: {  	[dreg:$0x2] =	wrdreg s24  }
0xaf: {  	[dreg:$0x3] =	wrdreg $0xB7800  }
0xb0: {  	[dreg:$0x4] =	wrdreg $0x9  }
0xb1: {  	_ =	task.clear_ibuf [dreg:s6], $0x5FFFF;
	_ =	strace $0x90000049  }
0xb2: {  	s29 =	simm.s32 $0x9;
	_ =	strace $0x8000004B  }
0xb3: {  	_ =	swait.ge [sflag:s29], $0x1  }
0xb4: {  	[sflag:s29] =	ssyncadd.s32 $0xFFFFFFFF  }
0xb5: {  	_ =	strace $0x9000004B  }
0xb6: {  	_ =	sfence  }
0xb7: {  	s30 =	sld [smem:$0x0];
	_ =	sdelay $0x2  }
0xb8: {  	s31 =	sshll.u32 s1, $0xD;
	s1 =	sshrl.u32 s1, $0x2  }
0xb9: {  	s3 =	sand.u32 $0x4000, s31;
	s1 =	sadd.s32 s1, s30  }
0xba: {  	s0 =	sor.u32 s3, s0;
	s1 =	sshll.u32 s1, $0x11  }
0xbb: {  	s0 =	sor.u32 s1, s0  }
0xbc: {  	s0 =	sadd.s32 $0x8F2B, s0  }
0xbd: {  	[sflag:s0] =	ssyncadd.remote.s32 $0x1  }
0xbe: {  	_ =	sfence.sel $0xFFFF  }
0xbf: {  	[dreg:$0x0] =	wrdreg $0xFFFFFFFF;
	(pc) =	sbr.abs _section_cstart, $3  }
0xc0: {  	[dreg:$0x1] =	wrdreg $0xFFFFFFFF  }
0xc1: {  	_ =	task.clear_ibuf [dreg:s6], $0x2FFFF;
	_ =	strace $0x9FFFFFFF  }
0xc2: {  	(tm) =	ssettm $0x7FFFFFFF  }
0xc3: {  	_ =	shalt  }
tec
execute0_lowered:
.L_overlay_start_1:
0x0: {  	(tag) =	ssettag $0x1  }
0x1: {  	s0 =	srdreg.scid  }
0x2: {  	s10 =	stileid.u32;
	s3 =	rddreg [dreg:$0x0]  }
0x3: {  	s2 =	rddreg [dreg:$0x1];
	s6 =	simm.s32 $0x0;
	s29 =	simm.s32 $0x6780  }
0x4: {  	s30 =	simm.s32 $0x3;
	s31 =	simm.s32 $0x1;
	s28 =	simm.s32 $0x0  }
0x5: {  	s0 =	sand.u32 $0x1, s0;
	s5 =	sshll.u32 s10, $0x7;
	s7 =	smul.u32 $0x50000, s10  }
0x6: {  	[smem:$0x7FF] =	sst s6;
	s6 =	smul.u32 $0x14000, s10;
	s1 =	sshll.u32 s0, $0x4  }
0x7: {  	s5 =	sand.u32 $0x380, s5;
	_ =	strace $0x8000004A;
	s26 =	ssub.s32 $0x2, s0  }
0x8: {  	s0 =	smul.u32 $0x140000, s0;
	s1 =	sor.u32 s10, s1;
	s8 =	sshrl.u32 s26, $0x1  }
0x9: {  	s7 =	sshrl.u32 s7, $0x2;
	s17 =	sadd.s32 $0x4000, s6;
	s18 =	sadd.s32 $0x8000, s6  }
0xa: {  	s24 =	sadd.s32 $0xC000, s6;
	s4 =	sshrl.u32 s1, $0x3;
	s1 =	sshll.u32 s1, $0xB  }
0xb: {  	s20 =	ssub.s32 s26, s8;
	s7 =	sadd.s32 s7, s2;
	s15 =	sadd.s32 s6, s0  }
0xc: {  	s16 =	sadd.s32 s0, s17;
	s19 =	sadd.s32 s0, s18;
	s21 =	sadd.s32 s17, s2  }
0xd: {  	s22 =	sadd.s32 s0, s24;
	s24 =	sadd.s32 s24, s2;
	s4 =	smul.u32 $0x13C00, s4  }
0xe: {  	s1 =	sadd.s32 s1, s3;
	s8 =	sadd.s32 $0x2800, s7;
	s9 =	sadd.s32 $0x5000, s7  }
0xf: {  	s10 =	sadd.s32 $0x7800, s7;
	s11 =	sadd.s32 $0xA000, s7;
	s12 =	sadd.s32 $0xC800, s7  }
0x10: {  	s13 =	sadd.s32 $0xF000, s7;
	s14 =	sadd.s32 $0x11800, s7;
	s15 =	sshrl.u32 s15, $0x3  }
0x11: {  	s16 =	sshrl.u32 s16, $0x3;
	s23 =	sshrl.u32 s19, $0x3;
	s25 =	sshrl.u32 s22, $0x3  }
0x12: {  	s20 =	smax.u32 s20, $0x1;
	s22 =	sshrl.u32 s21, $0x3;
	s24 =	sshrl.u32 s24, $0x3  }
0x13: {  	s21 =	simm.s32 $0x8F80;
	s1 =	sadd.s32 $0x16200, s1;
	s5 =	sor.u32 s5, s4  }
0x14: {  	s4 =	sadd.s32 $0x30000, s3;
	[dreg:$0x4] =	wrdreg s1;
	s1 =	sadd.s32 $0x10000, s6  }
0x15: {  	s5 =	sshrl.u32 s5, $0x3;
	s0 =	sadd.s32 s0, s1;
	s26 =	sadd.s32 s1, s2  }
0x16: {  	s1 =	simm.s32 $0x2;
	s5 =	sadd.s32 s5, s3;
	s3 =	sadd.s32 $0x58000, s3  }
0x17: {  	s0 =	sshrl.u32 s0, $0x3;
	s5 =	sadd.s32 $0x26200, s5;
	s15 =	sadd.s32 s3, s15  }
0x18: {  	s16 =	sadd.s32 s3, s16;
	s17 =	sadd.s32 s3, s23;
	s23 =	sadd.s32 s18, s2  }
0x19: {  	s18 =	sadd.s32 s3, s25;
	s19 =	sadd.s32 s3, s0;
	s25 =	sshrl.u32 s26, $0x3  }
0x1a: {  	v0 =	vimm.f32 $0.0e+00;
	s0 =	simm.s32 $0x50;
	[dreg:$0x3] =	wrdreg s5;
	s23 =	sshrl.u32 s23, $0x3  }
.LBB2_1:
0x1b: {  	s3 =	simm.s32 $0x0  }
0x1c: {  	s5 =	rddreg [dreg:$0x3];
	s6 =	simm.s32 $0x80;
	s26 =	simm.s32 $0x400  }
0x1d: {  	[tilespmem:s3], [sflag:$0x1] =	stream.strided.gather [hbm4b:s5+s6], $0x2780, s26, s6, $0x38;
	[tilespmem:$0x1F780] =	vst v63  }
0x1e: {  	s6 =	rddreg [dreg:$0x4];
	s26 =	simm.s32 $0x2780  }
0x1f: {  	[tilespmem:s26], [sflag:$0x2] =	stream.linear.gather [hbm4b:s6+s3], $0x3E80, $0x38;
	[tilespmem:$0x1F780] =	vst v63  }
0x20: {  	s3 =	simm.s32 $0x0;
	s26 =	simm.s32 $0x200  }
.LBB2_2:
0x21: {  	p0 =	sne.s32 s26, $0x9E00;
	[tilespmem:s3+$0x67F0] =	vst v0  }
0x22: {  	[tilespmem:s3+$0x6780] =	vst v0  }
0x23: {  	[tilespmem:s3+$0x6790] =	vst v0  }
.Ltmp0:
0x24: {  	[tilespmem:s3+$0x67A0] =	vst v0;
	(pc) =	sbr.rel @p0 .LBB2_2-.Ltmp0, $4  }
0x25: {  	[tilespmem:s3+$0x67B0] =	vst v0  }
0x26: {  	[tilespmem:s3+$0x67C0] =	vst v0  }
0x27: {  	[tilespmem:s3+$0x67D0] =	vst v0  }
0x28: {  	[tilespmem:s3+$0x67E0] =	vst v0;
	s3 =	sshra.s32 s26, $0x2;
	s26 =	sadd.s32 $0x200, s26  }
0x29: {  	[tilespmem:s3+$0x67F0] =	vst v0  }
0x2a: {  	[tilespmem:s3+$0x6780] =	vst v0  }
0x2b: {  	[tilespmem:s3+$0x6790] =	vst v0  }
0x2c: {  	[tilespmem:s3+$0x67A0] =	vst v0  }
0x2d: {  	[tilespmem:s3+$0x67B0] =	vst v0  }
0x2e: {  	[tilespmem:s3+$0x67C0] =	vst v0  }
0x2f: {  	[tilespmem:s3+$0x67D0] =	vst v0  }
0x30: {  	[tilespmem:s3+$0x67E0] =	vst v0  }
0x31: {  	[spmem:s7] =	stream.linear.scatter [tilespmem:s29], [sflag:$0x3], $0x2800, $0x38;
	[tilespmem:$0x1F780] =	vst v63  }
0x32: {  	_ =	swait.ge [sflag:s30], $0x2800  }
0x33: {  	[sflag:s30] =	ssyncset.done $0x0  }
0x34: {  	[sflag:s30] =	ssyncadd.s32 $0xFFFFD800  }
0x35: {  	[spmem:s8] =	stream.linear.scatter [tilespmem:s29], [sflag:$0x3], $0x2800, $0x38;
	[tilespmem:$0x1F780] =	vst v63  }
0x36: {  	_ =	swait.ge [sflag:s30], $0x2800  }
0x37: {  	[sflag:s30] =	ssyncset.done $0x0  }
0x38: {  	[sflag:s30] =	ssyncadd.s32 $0xFFFFD800  }
0x39: {  	[spmem:s9] =	stream.linear.scatter [tilespmem:s29], [sflag:$0x3], $0x2800, $0x38;
	[tilespmem:$0x1F780] =	vst v63  }
0x3a: {  	_ =	swait.ge [sflag:s30], $0x2800  }
0x3b: {  	[sflag:s30] =	ssyncset.done $0x0  }
0x3c: {  	[sflag:s30] =	ssyncadd.s32 $0xFFFFD800  }
0x3d: {  	[spmem:s10] =	stream.linear.scatter [tilespmem:s29], [sflag:$0x3], $0x2800, $0x38;
	[tilespmem:$0x1F780] =	vst v63  }
0x3e: {  	_ =	swait.ge [sflag:s30], $0x2800  }
0x3f: {  	[sflag:s30] =	ssyncset.done $0x0  }
0x40: {  	[sflag:s30] =	ssyncadd.s32 $0xFFFFD800  }
0x41: {  	[spmem:s11] =	stream.linear.scatter [tilespmem:s29], [sflag:$0x3], $0x2800, $0x38;
	[tilespmem:$0x1F780] =	vst v63  }
0x42: {  	_ =	swait.ge [sflag:s30], $0x2800  }
0x43: {  	[sflag:s30] =	ssyncset.done $0x0  }
0x44: {  	[sflag:s30] =	ssyncadd.s32 $0xFFFFD800  }
0x45: {  	[spmem:s12] =	stream.linear.scatter [tilespmem:s29], [sflag:$0x3], $0x2800, $0x38;
	[tilespmem:$0x1F780] =	vst v63  }
0x46: {  	_ =	swait.ge [sflag:s30], $0x2800  }
0x47: {  	[sflag:s30] =	ssyncset.done $0x0  }
0x48: {  	[sflag:s30] =	ssyncadd.s32 $0xFFFFD800  }
0x49: {  	[spmem:s13] =	stream.linear.scatter [tilespmem:s29], [sflag:$0x3], $0x2800, $0x38;
	[tilespmem:$0x1F780] =	vst v63  }
0x4a: {  	_ =	swait.ge [sflag:s30], $0x2800  }
0x4b: {  	[sflag:s30] =	ssyncset.done $0x0  }
0x4c: {  	[sflag:s30] =	ssyncadd.s32 $0xFFFFD800  }
0x4d: {  	[spmem:s14] =	stream.linear.scatter [tilespmem:s29], [sflag:$0x3], $0x2800, $0x38;
	[tilespmem:$0x1F780] =	vst v63  }
0x4e: {  	_ =	swait.ge [sflag:s30], $0x2800  }
0x4f: {  	[sflag:s30] =	ssyncset.done $0x0  }
0x50: {  	[sflag:s30] =	ssyncadd.s32 $0xFFFFD800  }
0x51: {  	_ =	swait.ge [sflag:s31], $0x2780  }
0x52: {  	[sflag:s31] =	ssyncset.done $0x0  }
0x53: {  	[sflag:s31] =	ssyncadd.s32 $0xFFFFD880  }
0x54: {  	_ =	swait.ge [sflag:s1], $0x3E80  }
0x55: {  	[sflag:s1] =	ssyncset.done $0x0  }
0x56: {  	[sflag:s1] =	ssyncadd.s32 $0xFFFFC180  }
0x57: {  	s26 =	simm.s32 $0x50;
	s5 =	simm.s32 $0x0;
	[bflag:$0x0] =	sbarrier.arrive $0xFFFF  }
0x58: {  	[tilespmem:s29], [sflag:$0x1] =	stream.indirect.gather [hbm4b:s4+s26], $0x80, s5, s26, $0xb8;
	[tilespmem:$0x1F780] =	vst v63  }
0x59: {  	_ = 	snop  }
0x5a: {  	[tilespmem:s21], [sflag:$0x2] =	stream.indirect.gather [hbm4b:s4+s0], $0x80, s26, s0, $0xb8;
	[tilespmem:$0x1F780] =	vst v63  }
0x5b: {  	_ =	swait.ge [sflag:s31], $0x2800  }
0x5c: {  	[sflag:s31] =	ssyncset.done $0x0  }
0x5d: {  	s6 =	simm.s32 $0x2780;
	[sflag:s31] =	ssyncadd.s32 $0xFFFFD800  }
0x5e: {  	[spmem:s2] =	stream.indirect.scatter.add.f32 [tilespmem:s29], [sflag:$0x3], $0x80, s6, s0, $0xb8;
	[tilespmem:$0x1F780] =	vst v63  }
0x5f: {  	_ =	swait.ge [sflag:s30], $0x2800  }
0x60: {  	[sflag:s30] =	ssyncset.done $0x0  }
0x61: {  	s5 =	simm.s32 $0xA0;
	[sflag:s30] =	ssyncadd.s32 $0xFFFFD800  }
0x62: {  	[tilespmem:s29], [sflag:$0x1] =	stream.indirect.gather [hbm4b:s4+s0], $0x80, s5, s0, $0xb8;
	[tilespmem:$0x1F780] =	vst v63  }
0x63: {  	_ =	swait.ge [sflag:s1], $0x2800  }
0x64: {  	[sflag:s1] =	ssyncset.done $0x0  }
0x65: {  	s6 =	simm.s32 $0x2800;
	[sflag:s1] =	ssyncadd.s32 $0xFFFFD800  }
0x66: {  	[spmem:s2] =	stream.indirect.scatter.add.f32 [tilespmem:s21], [sflag:$0x3], $0x80, s6, s0, $0xb8;
	[tilespmem:$0x1F780] =	vst v63  }
0x67: {  	_ =	swait.ge [sflag:s30], $0x2800  }
0x68: {  	s3 =	simm.s32 $0x400;
	[sflag:s30] =	ssyncset.done $0x0  }
.LBB2_4:
0x69: {  	p0 =	sne.s32 s3, $0xF400;
	[sflag:s30] =	ssyncadd.s32 $0xFFFFD800;
	s26 =	sadd.s32 $0xA0, s26  }
0x6a: {  	[tilespmem:s21], [sflag:$0x2] =	stream.indirect.gather [hbm4b:s4+s0], $0x80, s26, s0, $0xb8;
	[tilespmem:$0x1F780] =	vst v63  }
0x6b: {  	s5 =	smov.u32 s3;
	s3 =	sadd.s32 $0x400, s3;
	_ =	swait.ge [sflag:s31], $0x2800  }
0x6c: {  	s5 =	sshra.s32 s5, $0x2;
	[sflag:s31] =	ssyncset.done $0x0  }
0x6d: {  	s6 =	sadd.s32 $0x2780, s5;
	[sflag:s31] =	ssyncadd.s32 $0xFFFFD800  }
0x6e: {  	[spmem:s2] =	stream.indirect.scatter.add.f32 [tilespmem:s29], [sflag:$0x3], $0x80, s6, s0, $0xb8;
	[tilespmem:$0x1F780] =	vst v63  }
0x6f: {  	_ =	swait.ge [sflag:s30], $0x2800  }
0x70: {  	[sflag:s30] =	ssyncset.done $0x0  }
0x71: {  	s6 =	sadd.s32 $0x50, s26;
	[sflag:s30] =	ssyncadd.s32 $0xFFFFD800  }
0x72: {  	[tilespmem:s29], [sflag:$0x1] =	stream.indirect.gather [hbm4b:s4+s0], $0x80, s6, s0, $0xb8;
	[tilespmem:$0x1F780] =	vst v63  }
0x73: {  	_ =	swait.ge [sflag:s1], $0x2800  }
.Ltmp1:
0x74: {  	[sflag:s1] =	ssyncset.done $0x0;
	(pc) =	sbr.rel @p0 .LBB2_4-.Ltmp1, $4  }
0x75: {  	s5 =	sadd.s32 $0x2800, s5;
	[sflag:s1] =	ssyncadd.s32 $0xFFFFD800  }
0x76: {  	[spmem:s2] =	stream.indirect.scatter.add.f32 [tilespmem:s21], [sflag:$0x3], $0x80, s5, s0, $0xb8;
	[tilespmem:$0x1F780] =	vst v63  }
0x77: {  	_ =	swait.ge [sflag:s30], $0x2800  }
0x78: {  	[sflag:s30] =	ssyncset.done $0x0  }
0x79: {  	[sflag:s30] =	ssyncadd.s32 $0xFFFFD800  }
0x7a: {  	_ =	swait.ge [sflag:s31], $0x2800  }
0x7b: {  	[sflag:s31] =	ssyncset.done $0x0  }
0x7c: {  	s3 =	simm.s32 $0x6580;
	[sflag:s31] =	ssyncadd.s32 $0xFFFFD800  }
0x7d: {  	[spmem:s2] =	stream.indirect.scatter.add.f32 [tilespmem:s29], [sflag:$0x3], $0x80, s3, s0, $0xb8;
	[tilespmem:$0x1F780] =	vst v63  }
0x7e: {  	_ =	swait.ge [sflag:s30], $0x2800  }
0x7f: {  	s26 =	stileid.u32;
	[sflag:s30] =	ssyncset.done $0x0  }
0x80: {  	s3 =	sshll.u32 s26, $0x6;
	[sflag:s30] =	ssyncadd.s32 $0xFFFFD800  }
0x81: {  	s5 =	sshrl.u32 s7, $0x3;
	s3 =	sor.u32 $0x1C03, s3;
	[bflag:$0x0] =	sbarrier.arrive $0xFFFF  }
0x82: {  	[hbm:s15], [sflag:s3] =	dma.local [spmem:s5], $0x800  }
0x83: {  	_ =	swait.ge [sflag:s30], $0x800  }
0x84: {  	[sflag:s30] =	ssyncset.done $0x0  }
0x85: {  	[sflag:s30] =	ssyncadd.s32 $0xFFFFF800  }
0x86: {  	[hbm:s16], [sflag:s3] =	dma.local [spmem:s22], $0x800  }
0x87: {  	_ =	swait.ge [sflag:s30], $0x800  }
0x88: {  	[sflag:s30] =	ssyncset.done $0x0  }
0x89: {  	[sflag:s30] =	ssyncadd.s32 $0xFFFFF800  }
0x8a: {  	[hbm:s17], [sflag:s3] =	dma.local [spmem:s23], $0x800  }
0x8b: {  	_ =	swait.ge [sflag:s30], $0x800  }
0x8c: {  	[sflag:s30] =	ssyncset.done $0x0  }
0x8d: {  	[sflag:s30] =	ssyncadd.s32 $0xFFFFF800  }
0x8e: {  	[hbm:s18], [sflag:s3] =	dma.local [spmem:s24], $0x800  }
0x8f: {  	s28 =	sadd.s32 $0x1, s28;
	_ =	swait.ge [sflag:s30], $0x800  }
0x90: {  	p0 =	sne.s32 s28, s20;
	[sflag:s30] =	ssyncset.done $0x0  }
.Ltmp2:
0x91: {  	[sflag:s30] =	ssyncadd.s32 $0xFFFFF800;
	(pc) =	sbr.rel @p0 .LBB2_1-.Ltmp2, $4  }
0x92: {  	[hbm:s19], [sflag:s3] =	dma.local [spmem:s25], $0x800  }
0x93: {  	_ =	swait.ge [sflag:s30], $0x800  }
0x94: {  	[sflag:s30] =	ssyncset.done $0x0  }
0x95: {  	[sflag:s30] =	ssyncadd.s32 $0xFFFFF800  }
0x96: {  	_ =	sfence.sel $0x180000  }
0x97: {  	[bflag:$0x0] =	sbarrier.arrive $0xFFFF  }
0x98: {  	_ =	strace $0x9000004A  }
0x99: {  	s0 =	stileid.u32;
	[bflag:$0x2] =	sbarrier.arrive $0xFFFF  }
0x9a: {  	p0 =	sne.s32 s0, $0x0;
	s0 =	rddreg [dreg:$0x2]  }
0x9b: {  	s0 =	sadd.s32 @!p0 $0x100000, s0  }
0x9c: {  	[sflag:s0] =	ssyncadd.tile.s32 @!p0 $0x1;
	_ =	shalt  }
.Lfunc_end2:
_tile_overlayer_lowered:
.L_overlay_start_2:
0x9d: {  	(tag) =	ssettag $0x2  }
0x9e: {  	s0 =	rddreg [dreg:$0x0];
	s2 =	stileid.u32  }
0x9f: {  	s1 =	rddreg [dreg:$0x1];
	p0 =	sne.s32 s2, $0x0  }
0xa0: {  	s3 =	rddreg [dreg:$0x2];
	[bflag:$0x3] =	sbarrier.arrive $0xFFFF;
	s2 =	simm.s32 @!p0 $0x1C03  }
0xa1: {  	[timem:s3], [sflag:s2] =	dma.local @!p0 [hbm:s0], s1  }
0xa2: {  	s0 =	simm.s32 @!p0 $0x3  }
0xa3: {  	_ =	swait.ge @!p0 [sflag:s0], s1  }
0xa4: {  	s1 =	ssub.s32 @!p0 $0x0, s1;
	[sflag:s0] =	ssyncset.done @!p0 $0x0  }
0xa5: {  	[sflag:s0] =	ssyncadd.s32 @!p0 s1  }
0xa6: {  	[bflag:$0x3] =	sbarrier.arrive $0xFFFF  }
0xa7: {  	_ =	shalt  }

// kernel: _run.15.cloned.1.call-start
scs
__scs_entry_jumppad:
0x0: {  	(pc) =	sbr.rel $0x88, $3  }
0x1: {  	(tag) =	ssettag $0x0;
	lr =	simm.s32 $0x1  }
0x2: {  	[smem:$0x3F99] =	sst lr;
	_ =	strace $0xD0000000  }
0x3: {  	_ = 	snop  }
0x4: {  	_ = 	snop  }
0x5: {  	_ = 	snop  }
0x6: {  	_ = 	snop  }
0x7: {  	_ = 	snop  }
__scs_overlays_trampoline_lowered:
0x8: {  	[smem:$0x3FA8] =	sst s0  }
0x9: {  	[smem:$0x3FA9] =	sst s1  }
0xa: {  	[smem:$0x3FAA] =	sst s2  }
0xb: {  	[smem:$0x3FAB] =	sst s3  }
0xc: {  	[smem:$0x3FAC] =	sst s4  }
0xd: {  	[smem:$0x3FAD] =	sst s5  }
0xe: {  	[smem:$0x3FAE] =	sst s6  }
0xf: {  	[smem:$0x3FAF] =	sst s7  }
0x10: {  	[smem:$0x3FB0] =	sst s8  }
0x11: {  	[smem:$0x3FB1] =	sst s9;
	s0 =	simm.s32 @!p0 $0x0  }
0x12: {  	s1 =	sld [smem:$0x3F97];
	s0 =	simm.s32 @p0 $0x1  }
0x13: {  	[smem:$0x3FB2] =	sst s0;
	s0 =	simm.s32 @!p1 $0x0  }
0x14: {  	s2 =	sld [smem:$0x3F96];
	s0 =	simm.s32 @p1 $0x1  }
0x15: {  	[smem:$0x3FB3] =	sst s0;
	s0 =	simm.s32 @!p2 $0x0  }
0x16: {  	s3 =	sld [smem:$0x3FDB];
	s0 =	simm.s32 @p2 $0x1  }
0x17: {  	s4 =	simm.s32 $0x1BF5;
	[smem:$0x3FB5] =	sst s0  }
0x18: {  	s0 =	sld [smem:$0x3F98];
	_ =	swait.ge [sflag:s4], $0x0  }
0x19: {  	s7 =	sld [smem:$0x3F99]  }
0x1a: {  	s8 =	sadd.s32 $0xFFFFE003, lr  }
0x1b: {  	s9 =	sadd.s32 $0xFFFFFEF7, lr;
	s5 =	simm.s32 $0xFFFFFFFF;
	p2 =	slt.u32 s8, $0xFFFFF086  }
0x1c: {  	p1 =	slt.u32 s9, $0xF7A;
	s5 =	simm.s32 @!p2 $0x0  }
0x1d: {  	s5 =	simm.s32 @p1 $0x1;
	p0 =	seq.s32 s7, s2  }
0x1e: {  	s7 =	smul.u32 @!p0 $0xF7A, s2;
	p2 =	seq.s32 @!p0 s5, $0x0  }
0x1f: {  	s9 =	smul.u32 $0xF7A, s1;
	s8 =	simm.s32 @!p0 $0x1BF5;
	p2 =	por !p2, p0  }
0x20: {  	[sflag:s8] =	ssyncset.s32 @!p0 $0xFFFFF086;
	s6 =	sadd.s32 @!p0 s3, s7;
	s7 =	simm.s32 @!p0 $0x108  }
0x21: {  	s3 =	sadd.s32 s3, s9;
	s6 =	sadd.s32 @!p0 $0x88, s6;
	s7 =	simm.s32 @p2 $0x1082  }
0x22: {  	[simem:s7], [sflag:s8] =	dma.local @!p0 [hbm:s6], $0xF7A  }
0x23: {  	s9 =	sor.u32 $0xD0000000, s2;
	s6 =	simm.s32 $0x108;
	_ =	swait.ge @!p0 [sflag:s8], $0x0  }
0x24: {  	s3 =	sadd.s32 $0x88, s3;
	s6 =	simm.s32 @!p1 $0x1082;
	[sflag:s4] =	ssyncset.s32 $0xFFFFF086  }
0x25: {  	[simem:s6], [sflag:s4] =	dma.local [hbm:s3], $0xF7A  }
0x26: {  	[smem:$0x3F99] =	sst s1;
	(tag) =	ssettag s2;
	_ =	strace s9  }
0x27: {  	s1 =	sld [smem:$0x3FA9]  }
0x28: {  	s2 =	sld [smem:$0x3FAA]  }
0x29: {  	s4 =	sld [smem:$0x3FAC]  }
0x2a: {  	p0 =	seq.s32 s5, $0x0;
	s5 =	sld [smem:$0x3FAD]  }
0x2b: {  	s6 =	sld [smem:$0x3FAE]  }
0x2c: {  	s7 =	sld [smem:$0x3FAF]  }
0x2d: {  	s3 =	simm.s32 $0x108;
	s8 =	sld [smem:$0x3FB0]  }
0x2e: {  	s3 =	simm.s32 @!p0 $0x1082;
	s9 =	sld [smem:$0x3FB1]  }
0x2f: {  	lr =	sadd.s32 s0, s3;
	s0 =	sld [smem:$0x3FA8]  }
0x30: {  	s3 =	sld [smem:$0x3FAB]  }
0x31: {  	[smem:$0x3FB4] =	sst s10  }
0x32: {  	s10 =	sld [smem:$0x3FB2];
	_ =	sdelay $0x3  }
0x33: {  	p0 =	seq.s32 s10, $0x1;
	s10 =	sld [smem:$0x3FB4];
	_ =	sdelay $0x3  }
0x34: {  	[smem:$0x3FB4] =	sst s10  }
0x35: {  	s10 =	sld [smem:$0x3FB3];
	_ =	sdelay $0x3  }
0x36: {  	p1 =	seq.s32 s10, $0x1;
	s10 =	sld [smem:$0x3FB4];
	_ =	sdelay $0x3  }
0x37: {  	[smem:$0x3FB4] =	sst s10  }
0x38: {  	s10 =	sld [smem:$0x3FB5]  }
0x39: {  	_ = 	snop;
	(pc) =	sbr.ind lr, $3  }
0x3a: {  	_ = 	snop  }
0x3b: {  	_ = 	snop  }
0x3c: {  	p2 =	seq.s32 s10, $0x1;
	s10 =	sld [smem:$0x3FB4]  }
0x3d: {  	_ =	shalt  }
0x3e: {  	_ =	shalt  }
0x3f: {  	_ =	shalt  }
0x40: {  	_ =	shalt  }
0x41: {  	_ =	shalt  }
0x42: {  	_ =	shalt  }
0x43: {  	_ =	shalt  }
0x44: {  	_ =	shalt  }
0x45: {  	_ =	shalt  }
0x46: {  	_ =	shalt  }
0x47: {  	_ =	shalt  }
0x48: {  	_ =	shalt  }
0x49: {  	_ =	shalt  }
0x4a: {  	_ =	shalt  }
0x4b: {  	_ =	shalt  }
0x4c: {  	_ =	shalt  }
0x4d: {  	_ =	shalt  }
0x4e: {  	_ =	shalt  }
0x4f: {  	_ =	shalt  }
0x50: {  	_ =	shalt  }
0x51: {  	_ =	shalt  }
0x52: {  	_ =	shalt  }
0x53: {  	_ =	shalt  }
0x54: {  	_ =	shalt  }
0x55: {  	_ =	shalt  }
0x56: {  	_ =	shalt  }
0x57: {  	_ =	shalt  }
0x58: {  	_ =	shalt  }
0x59: {  	_ =	shalt  }
0x5a: {  	_ =	shalt  }
0x5b: {  	_ =	shalt  }
0x5c: {  	_ =	shalt  }
0x5d: {  	_ =	shalt  }
0x5e: {  	_ =	shalt  }
0x5f: {  	_ =	shalt  }
0x60: {  	_ =	shalt  }
0x61: {  	_ =	shalt  }
0x62: {  	_ =	shalt  }
0x63: {  	_ =	shalt  }
0x64: {  	_ =	shalt  }
0x65: {  	_ =	shalt  }
0x66: {  	_ =	shalt  }
0x67: {  	_ =	shalt  }
0x68: {  	_ =	shalt  }
0x69: {  	_ =	shalt  }
0x6a: {  	_ =	shalt  }
0x6b: {  	_ =	shalt  }
0x6c: {  	_ =	shalt  }
0x6d: {  	_ =	shalt  }
0x6e: {  	_ =	shalt  }
0x6f: {  	_ =	shalt  }
0x70: {  	_ =	shalt  }
0x71: {  	_ =	shalt  }
0x72: {  	_ =	shalt  }
0x73: {  	_ =	shalt  }
0x74: {  	_ =	shalt  }
0x75: {  	_ =	shalt  }
0x76: {  	_ =	shalt  }
0x77: {  	_ =	shalt  }
0x78: {  	_ =	shalt  }
0x79: {  	_ =	shalt  }
0x7a: {  	_ =	shalt  }
0x7b: {  	_ =	shalt  }
0x7c: {  	_ =	shalt  }
0x7d: {  	_ =	shalt  }
0x7e: {  	_ =	shalt  }
0x7f: {  	_ =	shalt  }
0x80: {  	_ =	shalt  }
0x81: {  	_ =	shalt  }
0x82: {  	_ =	shalt  }
0x83: {  	_ =	shalt  }
0x84: {  	_ =	shalt  }
0x85: {  	_ =	shalt  }
0x86: {  	_ =	shalt  }
0x87: {  	_ =	shalt  }
.Lfunc_end0:
.L_simem_size_0:
called_computation.2_lowered:
.L_overlay_start_0:
0x88: {  	s2 =	sld [smem:$0x3FD9]  }
0x89: {  	s3 =	sld [smem:$0x3FFE];
	_ =	sdelay $0x1  }
0x8a: {  	s1 =	srdreg.scid  }
0x8b: {  	s0 =	sand.u32 $0x1, s1  }
0x8c: {  	s16 =	sshll.u32 s0, $0xA;
	s2 =	sadd.s32 s3, s2  }
0x8d: {  	s2 =	sadd.s32 s2, s16  }
0x8e: {  	[smem:$0x3FC0] =	sst s2  }
0x8f: {  	_ = 	snop  }
0x90: {  	(tm) =	ssettm $0x1  }
0x91: {  	s17 =	sld [smem:$0x3FFB];
	_ =	sdelay $0x3  }
0x92: {  	_ =	strace s17  }
0x93: {  	s2 =	sld [smem:$0x3FFC];
	_ =	sdelay $0x3  }
0x94: {  	_ =	strace s2  }
0x95: {  	s2 =	sld [smem:$0x3FFD];
	_ =	sdelay $0x3  }
0x96: {  	_ =	strace s2  }
0x97: {  	_ =	strace $0x8FFFFFFF  }
0x98: {  	s18 =	sld [smem:$0x3FDB];
	_ =	sdelay $0x1  }
0x99: {  	s19 =	simm.s32 $_scs_section_size  }
0x9a: {  	s4 =	simm.s32 $_size__tile_overlayer_lowered;
	s5 =	simm.s32 $_tile_overlayer_lowered  }
0x9b: {  	s22 =	simm.s32 $0x1BFF;
	s21 =	sshll.u32 s5, $0x1;
	s2 =	sadd.s32 s19, s18  }
0x9c: {  	s6 =	simm.s32 $0x0;
	s20 =	sshll.u32 s4, $0x1;
	s4 =	sadd.s32 s21, s2  }
0x9d: {  	[timem:s6], [sflag:s22] =	dma.local [hbm:s4], s20  }
0x9e: {  	_ =	swait.ge [sflag:s22], s20  }
0x9f: {  	s3 =	ssub.s32 $0x0, s20;
	[sflag:s22] =	ssyncset.done $0x0  }
0xa0: {  	[sflag:s22] =	ssyncadd.s32 s3;
	_ =	sdelay $0x1  }
0xa1: {  	s23 =	simm.s32 $0x1B8B  }
0xa2: {  	_ =	swait.ge [sflag:s23], $0x1  }
0xa3: {  	[sflag:s23] =	ssyncset.done $0x0  }
0xa4: {  	s25 =	simm.s32 $0x1B8E;
	s24 =	sld [smem:$0x3FFE];
	[sflag:s23] =	ssyncadd.s32 $0xFFFFFFFF  }
0xa5: {  	s26 =	simm.s32 $execute0_lowered;
	[smem:$0x3FD2] =	sst s25  }
0xa6: {  	s4 =	sshll.u32 s26, $0x1;
	_ =	strace $0x8000004C;
	[dreg:$0x1] =	wrdreg $0xFFFFFFFF  }
0xa7: {  	s28 =	simm.s32 $_size_execute0_lowered;
	s2 =	sadd.s32 s2, s4;
	[dreg:$0x0] =	wrdreg $0x0  }
0xa8: {  	s4 =	sshll.u32 s28, $0x1;
	[dreg:$0x2] =	wrdreg s2  }
0xa9: {  	[dreg:$0x3] =	wrdreg s4  }
0xaa: {  	[dreg:$0x4] =	wrdreg $0xC0  }
0xab: {  	_ =	task [dreg:s6], $0x5FFFF  }
0xac: {  	[dreg:$0x1] =	wrdreg $0xFFFFFFFF  }
0xad: {  	[dreg:$0x0] =	wrdreg $0x60  }
0xae: {  	[dreg:$0x2] =	wrdreg s24  }
0xaf: {  	[dreg:$0x3] =	wrdreg $0xB7800  }
0xb0: {  	[dreg:$0x4] =	wrdreg $0x9  }
0xb1: {  	_ =	task.clear_ibuf [dreg:s6], $0x5FFFF;
	_ =	strace $0x9000004C  }
0xb2: {  	s29 =	simm.s32 $0x9;
	_ =	strace $0x8000004E  }
0xb3: {  	_ =	swait.ge [sflag:s29], $0x1  }
0xb4: {  	[sflag:s29] =	ssyncadd.s32 $0xFFFFFFFF  }
0xb5: {  	_ =	strace $0x9000004E  }
0xb6: {  	_ =	sfence  }
0xb7: {  	s30 =	sld [smem:$0x0];
	_ =	sdelay $0x2  }
0xb8: {  	s31 =	sshll.u32 s1, $0xD;
	s1 =	sshrl.u32 s1, $0x2  }
0xb9: {  	s3 =	sand.u32 $0x4000, s31;
	s1 =	sadd.s32 s1, s30  }
0xba: {  	s0 =	sor.u32 s3, s0;
	s1 =	sshll.u32 s1, $0x11  }
0xbb: {  	s0 =	sor.u32 s1, s0  }
0xbc: {  	s0 =	sadd.s32 $0x8F2B, s0  }
0xbd: {  	[sflag:s0] =	ssyncadd.remote.s32 $0x1  }
0xbe: {  	_ =	sfence.sel $0xFFFF  }
0xbf: {  	[dreg:$0x0] =	wrdreg $0xFFFFFFFF;
	(pc) =	sbr.abs _section_cstart, $3  }
0xc0: {  	[dreg:$0x1] =	wrdreg $0xFFFFFFFF  }
0xc1: {  	_ =	task.clear_ibuf [dreg:s6], $0x2FFFF;
	_ =	strace $0x9FFFFFFF  }
0xc2: {  	(tm) =	ssettm $0x7FFFFFFF  }
0xc3: {  	_ =	shalt  }
tec
execute0_lowered:
.L_overlay_start_1:
0x0: {  	(tag) =	ssettag $0x1  }
0x1: {  	s0 =	srdreg.scid  }
0x2: {  	s10 =	stileid.u32;
	s3 =	rddreg [dreg:$0x0]  }
0x3: {  	s2 =	rddreg [dreg:$0x1];
	s6 =	simm.s32 $0x0;
	s29 =	simm.s32 $0x6780  }
0x4: {  	s30 =	simm.s32 $0x3;
	s31 =	simm.s32 $0x1;
	s28 =	simm.s32 $0x0  }
0x5: {  	s0 =	sand.u32 $0x1, s0;
	s5 =	sshll.u32 s10, $0x7;
	s7 =	smul.u32 $0x50000, s10  }
0x6: {  	[smem:$0x7FF] =	sst s6;
	s6 =	smul.u32 $0x14000, s10;
	s1 =	sshll.u32 s0, $0x4  }
0x7: {  	s5 =	sand.u32 $0x380, s5;
	_ =	strace $0x8000004D;
	s26 =	ssub.s32 $0x2, s0  }
0x8: {  	s0 =	smul.u32 $0x140000, s0;
	s1 =	sor.u32 s10, s1;
	s8 =	sshrl.u32 s26, $0x1  }
0x9: {  	s7 =	sshrl.u32 s7, $0x2;
	s17 =	sadd.s32 $0x4000, s6;
	s18 =	sadd.s32 $0x8000, s6  }
0xa: {  	s24 =	sadd.s32 $0xC000, s6;
	s4 =	sshrl.u32 s1, $0x3;
	s1 =	sshll.u32 s1, $0xB  }
0xb: {  	s20 =	ssub.s32 s26, s8;
	s7 =	sadd.s32 s7, s2;
	s15 =	sadd.s32 s6, s0  }
0xc: {  	s16 =	sadd.s32 s0, s17;
	s19 =	sadd.s32 s0, s18;
	s21 =	sadd.s32 s17, s2  }
0xd: {  	s22 =	sadd.s32 s0, s24;
	s24 =	sadd.s32 s24, s2;
	s4 =	smul.u32 $0x13C00, s4  }
0xe: {  	s1 =	sadd.s32 s1, s3;
	s8 =	sadd.s32 $0x2800, s7;
	s9 =	sadd.s32 $0x5000, s7  }
0xf: {  	s10 =	sadd.s32 $0x7800, s7;
	s11 =	sadd.s32 $0xA000, s7;
	s12 =	sadd.s32 $0xC800, s7  }
0x10: {  	s13 =	sadd.s32 $0xF000, s7;
	s14 =	sadd.s32 $0x11800, s7;
	s15 =	sshrl.u32 s15, $0x3  }
0x11: {  	s16 =	sshrl.u32 s16, $0x3;
	s23 =	sshrl.u32 s19, $0x3;
	s25 =	sshrl.u32 s22, $0x3  }
0x12: {  	s20 =	smax.u32 s20, $0x1;
	s22 =	sshrl.u32 s21, $0x3;
	s24 =	sshrl.u32 s24, $0x3  }
0x13: {  	s21 =	simm.s32 $0x8F80;
	s1 =	sadd.s32 $0x16200, s1;
	s5 =	sor.u32 s5, s4  }
0x14: {  	s4 =	sadd.s32 $0x30000, s3;
	[dreg:$0x4] =	wrdreg s1;
	s1 =	sadd.s32 $0x10000, s6  }
0x15: {  	s5 =	sshrl.u32 s5, $0x3;
	s0 =	sadd.s32 s0, s1;
	s26 =	sadd.s32 s1, s2  }
0x16: {  	s1 =	simm.s32 $0x2;
	s5 =	sadd.s32 s5, s3;
	s3 =	sadd.s32 $0x58000, s3  }
0x17: {  	s0 =	sshrl.u32 s0, $0x3;
	s5 =	sadd.s32 $0x26200, s5;
	s15 =	sadd.s32 s3, s15  }
0x18: {  	s16 =	sadd.s32 s3, s16;
	s17 =	sadd.s32 s3, s23;
	s23 =	sadd.s32 s18, s2  }
0x19: {  	s18 =	sadd.s32 s3, s25;
	s19 =	sadd.s32 s3, s0;
	s25 =	sshrl.u32 s26, $0x3  }
0x1a: {  	v0 =	vimm.f32 $0.0e+00;
	s0 =	simm.s32 $0x50;
	[dreg:$0x3] =	wrdreg s5;
	s23 =	sshrl.u32 s23, $0x3  }
.LBB2_1:
0x1b: {  	s3 =	simm.s32 $0x0  }
0x1c: {  	s5 =	rddreg [dreg:$0x3];
	s6 =	simm.s32 $0x80;
	s26 =	simm.s32 $0x400  }
0x1d: {  	[tilespmem:s3], [sflag:$0x1] =	stream.strided.gather [hbm4b:s5+s6], $0x2780, s26, s6, $0x38;
	[tilespmem:$0x1F780] =	vst v63  }
0x1e: {  	s6 =	rddreg [dreg:$0x4];
	s26 =	simm.s32 $0x2780  }
0x1f: {  	[tilespmem:s26], [sflag:$0x2] =	stream.linear.gather [hbm4b:s6+s3], $0x3E80, $0x38;
	[tilespmem:$0x1F780] =	vst v63  }
0x20: {  	s3 =	simm.s32 $0x0;
	s26 =	simm.s32 $0x200  }
.LBB2_2:
0x21: {  	p0 =	sne.s32 s26, $0x9E00;
	[tilespmem:s3+$0x67F0] =	vst v0  }
0x22: {  	[tilespmem:s3+$0x6780] =	vst v0  }
0x23: {  	[tilespmem:s3+$0x6790] =	vst v0  }
.Ltmp0:
0x24: {  	[tilespmem:s3+$0x67A0] =	vst v0;
	(pc) =	sbr.rel @p0 .LBB2_2-.Ltmp0, $4  }
0x25: {  	[tilespmem:s3+$0x67B0] =	vst v0  }
0x26: {  	[tilespmem:s3+$0x67C0] =	vst v0  }
0x27: {  	[tilespmem:s3+$0x67D0] =	vst v0  }
0x28: {  	[tilespmem:s3+$0x67E0] =	vst v0;
	s3 =	sshra.s32 s26, $0x2;
	s26 =	sadd.s32 $0x200, s26  }
0x29: {  	[tilespmem:s3+$0x67F0] =	vst v0  }
0x2a: {  	[tilespmem:s3+$0x6780] =	vst v0  }
0x2b: {  	[tilespmem:s3+$0x6790] =	vst v0  }
0x2c: {  	[tilespmem:s3+$0x67A0] =	vst v0  }
0x2d: {  	[tilespmem:s3+$0x67B0] =	vst v0  }
0x2e: {  	[tilespmem:s3+$0x67C0] =	vst v0  }
0x2f: {  	[tilespmem:s3+$0x67D0] =	vst v0  }
0x30: {  	[tilespmem:s3+$0x67E0] =	vst v0  }
0x31: {  	[spmem:s7] =	stream.linear.scatter [tilespmem:s29], [sflag:$0x3], $0x2800, $0x38;
	[tilespmem:$0x1F780] =	vst v63  }
0x32: {  	_ =	swait.ge [sflag:s30], $0x2800  }
0x33: {  	[sflag:s30] =	ssyncset.done $0x0  }
0x34: {  	[sflag:s30] =	ssyncadd.s32 $0xFFFFD800  }
0x35: {  	[spmem:s8] =	stream.linear.scatter [tilespmem:s29], [sflag:$0x3], $0x2800, $0x38;
	[tilespmem:$0x1F780] =	vst v63  }
0x36: {  	_ =	swait.ge [sflag:s30], $0x2800  }
0x37: {  	[sflag:s30] =	ssyncset.done $0x0  }
0x38: {  	[sflag:s30] =	ssyncadd.s32 $0xFFFFD800  }
0x39: {  	[spmem:s9] =	stream.linear.scatter [tilespmem:s29], [sflag:$0x3], $0x2800, $0x38;
	[tilespmem:$0x1F780] =	vst v63  }
0x3a: {  	_ =	swait.ge [sflag:s30], $0x2800  }
0x3b: {  	[sflag:s30] =	ssyncset.done $0x0  }
0x3c: {  	[sflag:s30] =	ssyncadd.s32 $0xFFFFD800  }
0x3d: {  	[spmem:s10] =	stream.linear.scatter [tilespmem:s29], [sflag:$0x3], $0x2800, $0x38;
	[tilespmem:$0x1F780] =	vst v63  }
0x3e: {  	_ =	swait.ge [sflag:s30], $0x2800  }
0x3f: {  	[sflag:s30] =	ssyncset.done $0x0  }
0x40: {  	[sflag:s30] =	ssyncadd.s32 $0xFFFFD800  }
0x41: {  	[spmem:s11] =	stream.linear.scatter [tilespmem:s29], [sflag:$0x3], $0x2800, $0x38;
	[tilespmem:$0x1F780] =	vst v63  }
0x42: {  	_ =	swait.ge [sflag:s30], $0x2800  }
0x43: {  	[sflag:s30] =	ssyncset.done $0x0  }
0x44: {  	[sflag:s30] =	ssyncadd.s32 $0xFFFFD800  }
0x45: {  	[spmem:s12] =	stream.linear.scatter [tilespmem:s29], [sflag:$0x3], $0x2800, $0x38;
	[tilespmem:$0x1F780] =	vst v63  }
0x46: {  	_ =	swait.ge [sflag:s30], $0x2800  }
0x47: {  	[sflag:s30] =	ssyncset.done $0x0  }
0x48: {  	[sflag:s30] =	ssyncadd.s32 $0xFFFFD800  }
0x49: {  	[spmem:s13] =	stream.linear.scatter [tilespmem:s29], [sflag:$0x3], $0x2800, $0x38;
	[tilespmem:$0x1F780] =	vst v63  }
0x4a: {  	_ =	swait.ge [sflag:s30], $0x2800  }
0x4b: {  	[sflag:s30] =	ssyncset.done $0x0  }
0x4c: {  	[sflag:s30] =	ssyncadd.s32 $0xFFFFD800  }
0x4d: {  	[spmem:s14] =	stream.linear.scatter [tilespmem:s29], [sflag:$0x3], $0x2800, $0x38;
	[tilespmem:$0x1F780] =	vst v63  }
0x4e: {  	_ =	swait.ge [sflag:s30], $0x2800  }
0x4f: {  	[sflag:s30] =	ssyncset.done $0x0  }
0x50: {  	[sflag:s30] =	ssyncadd.s32 $0xFFFFD800  }
0x51: {  	_ =	swait.ge [sflag:s31], $0x2780  }
0x52: {  	[sflag:s31] =	ssyncset.done $0x0  }
0x53: {  	[sflag:s31] =	ssyncadd.s32 $0xFFFFD880  }
0x54: {  	_ =	swait.ge [sflag:s1], $0x3E80  }
0x55: {  	[sflag:s1] =	ssyncset.done $0x0  }
0x56: {  	[sflag:s1] =	ssyncadd.s32 $0xFFFFC180  }
0x57: {  	s26 =	simm.s32 $0x50;
	s5 =	simm.s32 $0x0;
	[bflag:$0x0] =	sbarrier.arrive $0xFFFF  }
0x58: {  	[tilespmem:s29], [sflag:$0x1] =	stream.indirect.gather [hbm4b:s4+s26], $0x80, s5, s26, $0xb8;
	[tilespmem:$0x1F780] =	vst v63  }
0x59: {  	_ = 	snop  }
0x5a: {  	[tilespmem:s21], [sflag:$0x2] =	stream.indirect.gather [hbm4b:s4+s0], $0x80, s26, s0, $0xb8;
	[tilespmem:$0x1F780] =	vst v63  }
0x5b: {  	_ =	swait.ge [sflag:s31], $0x2800  }
0x5c: {  	[sflag:s31] =	ssyncset.done $0x0  }
0x5d: {  	s6 =	simm.s32 $0x2780;
	[sflag:s31] =	ssyncadd.s32 $0xFFFFD800  }
0x5e: {  	[spmem:s2] =	stream.indirect.scatter.add.f32 [tilespmem:s29], [sflag:$0x3], $0x80, s6, s0, $0xb8;
	[tilespmem:$0x1F780] =	vst v63  }
0x5f: {  	_ =	swait.ge [sflag:s30], $0x2800  }
0x60: {  	[sflag:s30] =	ssyncset.done $0x0  }
0x61: {  	s5 =	simm.s32 $0xA0;
	[sflag:s30] =	ssyncadd.s32 $0xFFFFD800  }
0x62: {  	[tilespmem:s29], [sflag:$0x1] =	stream.indirect.gather [hbm4b:s4+s0], $0x80, s5, s0, $0xb8;
	[tilespmem:$0x1F780] =	vst v63  }
0x63: {  	_ =	swait.ge [sflag:s1], $0x2800  }
0x64: {  	[sflag:s1] =	ssyncset.done $0x0  }
0x65: {  	s6 =	simm.s32 $0x2800;
	[sflag:s1] =	ssyncadd.s32 $0xFFFFD800  }
0x66: {  	[spmem:s2] =	stream.indirect.scatter.add.f32 [tilespmem:s21], [sflag:$0x3], $0x80, s6, s0, $0xb8;
	[tilespmem:$0x1F780] =	vst v63  }
0x67: {  	_ =	swait.ge [sflag:s30], $0x2800  }
0x68: {  	s3 =	simm.s32 $0x400;
	[sflag:s30] =	ssyncset.done $0x0  }
.LBB2_4:
0x69: {  	p0 =	sne.s32 s3, $0xF400;
	[sflag:s30] =	ssyncadd.s32 $0xFFFFD800;
	s26 =	sadd.s32 $0xA0, s26  }
0x6a: {  	[tilespmem:s21], [sflag:$0x2] =	stream.indirect.gather [hbm4b:s4+s0], $0x80, s26, s0, $0xb8;
	[tilespmem:$0x1F780] =	vst v63  }
0x6b: {  	s5 =	smov.u32 s3;
	s3 =	sadd.s32 $0x400, s3;
	_ =	swait.ge [sflag:s31], $0x2800  }
0x6c: {  	s5 =	sshra.s32 s5, $0x2;
	[sflag:s31] =	ssyncset.done $0x0  }
0x6d: {  	s6 =	sadd.s32 $0x2780, s5;
	[sflag:s31] =	ssyncadd.s32 $0xFFFFD800  }
0x6e: {  	[spmem:s2] =	stream.indirect.scatter.add.f32 [tilespmem:s29], [sflag:$0x3], $0x80, s6, s0, $0xb8;
	[tilespmem:$0x1F780] =	vst v63  }
0x6f: {  	_ =	swait.ge [sflag:s30], $0x2800  }
0x70: {  	[sflag:s30] =	ssyncset.done $0x0  }
0x71: {  	s6 =	sadd.s32 $0x50, s26;
	[sflag:s30] =	ssyncadd.s32 $0xFFFFD800  }
0x72: {  	[tilespmem:s29], [sflag:$0x1] =	stream.indirect.gather [hbm4b:s4+s0], $0x80, s6, s0, $0xb8;
	[tilespmem:$0x1F780] =	vst v63  }
0x73: {  	_ =	swait.ge [sflag:s1], $0x2800  }
.Ltmp1:
0x74: {  	[sflag:s1] =	ssyncset.done $0x0;
	(pc) =	sbr.rel @p0 .LBB2_4-.Ltmp1, $4  }
0x75: {  	s5 =	sadd.s32 $0x2800, s5;
	[sflag:s1] =	ssyncadd.s32 $0xFFFFD800  }
0x76: {  	[spmem:s2] =	stream.indirect.scatter.add.f32 [tilespmem:s21], [sflag:$0x3], $0x80, s5, s0, $0xb8;
	[tilespmem:$0x1F780] =	vst v63  }
0x77: {  	_ =	swait.ge [sflag:s30], $0x2800  }
0x78: {  	[sflag:s30] =	ssyncset.done $0x0  }
0x79: {  	[sflag:s30] =	ssyncadd.s32 $0xFFFFD800  }
0x7a: {  	_ =	swait.ge [sflag:s31], $0x2800  }
0x7b: {  	[sflag:s31] =	ssyncset.done $0x0  }
0x7c: {  	s3 =	simm.s32 $0x6580;
	[sflag:s31] =	ssyncadd.s32 $0xFFFFD800  }
0x7d: {  	[spmem:s2] =	stream.indirect.scatter.add.f32 [tilespmem:s29], [sflag:$0x3], $0x80, s3, s0, $0xb8;
	[tilespmem:$0x1F780] =	vst v63  }
0x7e: {  	_ =	swait.ge [sflag:s30], $0x2800  }
0x7f: {  	s26 =	stileid.u32;
	[sflag:s30] =	ssyncset.done $0x0  }
0x80: {  	s3 =	sshll.u32 s26, $0x6;
	[sflag:s30] =	ssyncadd.s32 $0xFFFFD800  }
0x81: {  	s5 =	sshrl.u32 s7, $0x3;
	s3 =	sor.u32 $0x1C03, s3;
	[bflag:$0x0] =	sbarrier.arrive $0xFFFF  }
0x82: {  	[hbm:s15], [sflag:s3] =	dma.local [spmem:s5], $0x800  }
0x83: {  	_ =	swait.ge [sflag:s30], $0x800  }
0x84: {  	[sflag:s30] =	ssyncset.done $0x0  }
0x85: {  	[sflag:s30] =	ssyncadd.s32 $0xFFFFF800  }
0x86: {  	[hbm:s16], [sflag:s3] =	dma.local [spmem:s22], $0x800  }
0x87: {  	_ =	swait.ge [sflag:s30], $0x800  }
0x88: {  	[sflag:s30] =	ssyncset.done $0x0  }
0x89: {  	[sflag:s30] =	ssyncadd.s32 $0xFFFFF800  }
0x8a: {  	[hbm:s17], [sflag:s3] =	dma.local [spmem:s23], $0x800  }
0x8b: {  	_ =	swait.ge [sflag:s30], $0x800  }
0x8c: {  	[sflag:s30] =	ssyncset.done $0x0  }
0x8d: {  	[sflag:s30] =	ssyncadd.s32 $0xFFFFF800  }
0x8e: {  	[hbm:s18], [sflag:s3] =	dma.local [spmem:s24], $0x800  }
0x8f: {  	s28 =	sadd.s32 $0x1, s28;
	_ =	swait.ge [sflag:s30], $0x800  }
0x90: {  	p0 =	sne.s32 s28, s20;
	[sflag:s30] =	ssyncset.done $0x0  }
.Ltmp2:
0x91: {  	[sflag:s30] =	ssyncadd.s32 $0xFFFFF800;
	(pc) =	sbr.rel @p0 .LBB2_1-.Ltmp2, $4  }
0x92: {  	[hbm:s19], [sflag:s3] =	dma.local [spmem:s25], $0x800  }
0x93: {  	_ =	swait.ge [sflag:s30], $0x800  }
0x94: {  	[sflag:s30] =	ssyncset.done $0x0  }
0x95: {  	[sflag:s30] =	ssyncadd.s32 $0xFFFFF800  }
0x96: {  	_ =	sfence.sel $0x180000  }
0x97: {  	[bflag:$0x0] =	sbarrier.arrive $0xFFFF  }
0x98: {  	_ =	strace $0x9000004D  }
0x99: {  	s0 =	stileid.u32;
	[bflag:$0x2] =	sbarrier.arrive $0xFFFF  }
0x9a: {  	p0 =	sne.s32 s0, $0x0;
	s0 =	rddreg [dreg:$0x2]  }
0x9b: {  	s0 =	sadd.s32 @!p0 $0x100000, s0  }
0x9c: {  	[sflag:s0] =	ssyncadd.tile.s32 @!p0 $0x1;
	_ =	shalt  }
.Lfunc_end2:
_tile_overlayer_lowered:
.L_overlay_start_2:
0x9d: {  	(tag) =	ssettag $0x2  }
0x9e: {  	s0 =	rddreg [dreg:$0x0];
	s2 =	stileid.u32  }
0x9f: {  	s1 =	rddreg [dreg:$0x1];
	p0 =	sne.s32 s2, $0x0  }
0xa0: {  	s3 =	rddreg [dreg:$0x2];
	[bflag:$0x3] =	sbarrier.arrive $0xFFFF;
	s2 =	simm.s32 @!p0 $0x1C03  }
0xa1: {  	[timem:s3], [sflag:s2] =	dma.local @!p0 [hbm:s0], s1  }
0xa2: {  	s0 =	simm.s32 @!p0 $0x3  }
0xa3: {  	_ =	swait.ge @!p0 [sflag:s0], s1  }
0xa4: {  	s1 =	ssub.s32 @!p0 $0x0, s1;
	[sflag:s0] =	ssyncset.done @!p0 $0x0  }
0xa5: {  	[sflag:s0] =	ssyncadd.s32 @!p0 s1  }
0xa6: {  	[bflag:$0x3] =	sbarrier.arrive $0xFFFF  }
0xa7: {  	_ =	shalt  }

// kernel: _run.9.cloned.1.call-start
scs
__scs_entry_jumppad:
0x0: {  	(pc) =	sbr.rel $0x88, $3  }
0x1: {  	(tag) =	ssettag $0x0;
	lr =	simm.s32 $0x1  }
0x2: {  	[smem:$0x3F99] =	sst lr;
	_ =	strace $0xD0000000  }
0x3: {  	_ = 	snop  }
0x4: {  	_ = 	snop  }
0x5: {  	_ = 	snop  }
0x6: {  	_ = 	snop  }
0x7: {  	_ = 	snop  }
__scs_overlays_trampoline_lowered:
0x8: {  	[smem:$0x3FA8] =	sst s0  }
0x9: {  	[smem:$0x3FA9] =	sst s1  }
0xa: {  	[smem:$0x3FAA] =	sst s2  }
0xb: {  	[smem:$0x3FAB] =	sst s3  }
0xc: {  	[smem:$0x3FAC] =	sst s4  }
0xd: {  	[smem:$0x3FAD] =	sst s5  }
0xe: {  	[smem:$0x3FAE] =	sst s6  }
0xf: {  	[smem:$0x3FAF] =	sst s7  }
0x10: {  	[smem:$0x3FB0] =	sst s8  }
0x11: {  	[smem:$0x3FB1] =	sst s9;
	s0 =	simm.s32 @!p0 $0x0  }
0x12: {  	s1 =	sld [smem:$0x3F97];
	s0 =	simm.s32 @p0 $0x1  }
0x13: {  	[smem:$0x3FB2] =	sst s0;
	s0 =	simm.s32 @!p1 $0x0  }
0x14: {  	s2 =	sld [smem:$0x3F96];
	s0 =	simm.s32 @p1 $0x1  }
0x15: {  	[smem:$0x3FB3] =	sst s0;
	s0 =	simm.s32 @!p2 $0x0  }
0x16: {  	s3 =	sld [smem:$0x3FDB];
	s0 =	simm.s32 @p2 $0x1  }
0x17: {  	s4 =	simm.s32 $0x1BF5;
	[smem:$0x3FB5] =	sst s0  }
0x18: {  	s0 =	sld [smem:$0x3F98];
	_ =	swait.ge [sflag:s4], $0x0  }
0x19: {  	s7 =	sld [smem:$0x3F99]  }
0x1a: {  	s8 =	sadd.s32 $0xFFFFE003, lr  }
0x1b: {  	s9 =	sadd.s32 $0xFFFFFEF7, lr;
	s5 =	simm.s32 $0xFFFFFFFF;
	p2 =	slt.u32 s8, $0xFFFFF086  }
0x1c: {  	p1 =	slt.u32 s9, $0xF7A;
	s5 =	simm.s32 @!p2 $0x0  }
0x1d: {  	s5 =	simm.s32 @p1 $0x1;
	p0 =	seq.s32 s7, s2  }
0x1e: {  	s7 =	smul.u32 @!p0 $0xF7A, s2;
	p2 =	seq.s32 @!p0 s5, $0x0  }
0x1f: {  	s9 =	smul.u32 $0xF7A, s1;
	s8 =	simm.s32 @!p0 $0x1BF5;
	p2 =	por !p2, p0  }
0x20: {  	[sflag:s8] =	ssyncset.s32 @!p0 $0xFFFFF086;
	s6 =	sadd.s32 @!p0 s3, s7;
	s7 =	simm.s32 @!p0 $0x108  }
0x21: {  	s3 =	sadd.s32 s3, s9;
	s6 =	sadd.s32 @!p0 $0x88, s6;
	s7 =	simm.s32 @p2 $0x1082  }
0x22: {  	[simem:s7], [sflag:s8] =	dma.local @!p0 [hbm:s6], $0xF7A  }
0x23: {  	s9 =	sor.u32 $0xD0000000, s2;
	s6 =	simm.s32 $0x108;
	_ =	swait.ge @!p0 [sflag:s8], $0x0  }
0x24: {  	s3 =	sadd.s32 $0x88, s3;
	s6 =	simm.s32 @!p1 $0x1082;
	[sflag:s4] =	ssyncset.s32 $0xFFFFF086  }
0x25: {  	[simem:s6], [sflag:s4] =	dma.local [hbm:s3], $0xF7A  }
0x26: {  	[smem:$0x3F99] =	sst s1;
	(tag) =	ssettag s2;
	_ =	strace s9  }
0x27: {  	s1 =	sld [smem:$0x3FA9]  }
0x28: {  	s2 =	sld [smem:$0x3FAA]  }
0x29: {  	s4 =	sld [smem:$0x3FAC]  }
0x2a: {  	p0 =	seq.s32 s5, $0x0;
	s5 =	sld [smem:$0x3FAD]  }
0x2b: {  	s6 =	sld [smem:$0x3FAE]  }
0x2c: {  	s7 =	sld [smem:$0x3FAF]  }
0x2d: {  	s3 =	simm.s32 $0x108;
	s8 =	sld [smem:$0x3FB0]  }
0x2e: {  	s3 =	simm.s32 @!p0 $0x1082;
	s9 =	sld [smem:$0x3FB1]  }
0x2f: {  	lr =	sadd.s32 s0, s3;
	s0 =	sld [smem:$0x3FA8]  }
0x30: {  	s3 =	sld [smem:$0x3FAB]  }
0x31: {  	[smem:$0x3FB4] =	sst s10  }
0x32: {  	s10 =	sld [smem:$0x3FB2];
	_ =	sdelay $0x3  }
0x33: {  	p0 =	seq.s32 s10, $0x1;
	s10 =	sld [smem:$0x3FB4];
	_ =	sdelay $0x3  }
0x34: {  	[smem:$0x3FB4] =	sst s10  }
0x35: {  	s10 =	sld [smem:$0x3FB3];
	_ =	sdelay $0x3  }
0x36: {  	p1 =	seq.s32 s10, $0x1;
	s10 =	sld [smem:$0x3FB4];
	_ =	sdelay $0x3  }
0x37: {  	[smem:$0x3FB4] =	sst s10  }
0x38: {  	s10 =	sld [smem:$0x3FB5]  }
0x39: {  	_ = 	snop;
	(pc) =	sbr.ind lr, $3  }
0x3a: {  	_ = 	snop  }
0x3b: {  	_ = 	snop  }
0x3c: {  	p2 =	seq.s32 s10, $0x1;
	s10 =	sld [smem:$0x3FB4]  }
0x3d: {  	_ =	shalt  }
0x3e: {  	_ =	shalt  }
0x3f: {  	_ =	shalt  }
0x40: {  	_ =	shalt  }
0x41: {  	_ =	shalt  }
0x42: {  	_ =	shalt  }
0x43: {  	_ =	shalt  }
0x44: {  	_ =	shalt  }
0x45: {  	_ =	shalt  }
0x46: {  	_ =	shalt  }
0x47: {  	_ =	shalt  }
0x48: {  	_ =	shalt  }
0x49: {  	_ =	shalt  }
0x4a: {  	_ =	shalt  }
0x4b: {  	_ =	shalt  }
0x4c: {  	_ =	shalt  }
0x4d: {  	_ =	shalt  }
0x4e: {  	_ =	shalt  }
0x4f: {  	_ =	shalt  }
0x50: {  	_ =	shalt  }
0x51: {  	_ =	shalt  }
0x52: {  	_ =	shalt  }
0x53: {  	_ =	shalt  }
0x54: {  	_ =	shalt  }
0x55: {  	_ =	shalt  }
0x56: {  	_ =	shalt  }
0x57: {  	_ =	shalt  }
0x58: {  	_ =	shalt  }
0x59: {  	_ =	shalt  }
0x5a: {  	_ =	shalt  }
0x5b: {  	_ =	shalt  }
0x5c: {  	_ =	shalt  }
0x5d: {  	_ =	shalt  }
0x5e: {  	_ =	shalt  }
0x5f: {  	_ =	shalt  }
0x60: {  	_ =	shalt  }
0x61: {  	_ =	shalt  }
0x62: {  	_ =	shalt  }
0x63: {  	_ =	shalt  }
0x64: {  	_ =	shalt  }
0x65: {  	_ =	shalt  }
0x66: {  	_ =	shalt  }
0x67: {  	_ =	shalt  }
0x68: {  	_ =	shalt  }
0x69: {  	_ =	shalt  }
0x6a: {  	_ =	shalt  }
0x6b: {  	_ =	shalt  }
0x6c: {  	_ =	shalt  }
0x6d: {  	_ =	shalt  }
0x6e: {  	_ =	shalt  }
0x6f: {  	_ =	shalt  }
0x70: {  	_ =	shalt  }
0x71: {  	_ =	shalt  }
0x72: {  	_ =	shalt  }
0x73: {  	_ =	shalt  }
0x74: {  	_ =	shalt  }
0x75: {  	_ =	shalt  }
0x76: {  	_ =	shalt  }
0x77: {  	_ =	shalt  }
0x78: {  	_ =	shalt  }
0x79: {  	_ =	shalt  }
0x7a: {  	_ =	shalt  }
0x7b: {  	_ =	shalt  }
0x7c: {  	_ =	shalt  }
0x7d: {  	_ =	shalt  }
0x7e: {  	_ =	shalt  }
0x7f: {  	_ =	shalt  }
0x80: {  	_ =	shalt  }
0x81: {  	_ =	shalt  }
0x82: {  	_ =	shalt  }
0x83: {  	_ =	shalt  }
0x84: {  	_ =	shalt  }
0x85: {  	_ =	shalt  }
0x86: {  	_ =	shalt  }
0x87: {  	_ =	shalt  }
.Lfunc_end0:
.L_simem_size_0:
called_computation_lowered:
.L_overlay_start_0:
0x88: {  	s2 =	sld [smem:$0x3FD9]  }
0x89: {  	s3 =	sld [smem:$0x3FFE];
	_ =	sdelay $0x1  }
0x8a: {  	s1 =	srdreg.scid  }
0x8b: {  	s0 =	sand.u32 $0x1, s1  }
0x8c: {  	s17 =	sshll.u32 s0, $0xA;
	s2 =	sadd.s32 s3, s2  }
0x8d: {  	s2 =	sadd.s32 s2, s17  }
0x8e: {  	[smem:$0x3FC0] =	sst s2  }
0x8f: {  	_ = 	snop  }
0x90: {  	s2 =	sld [smem:$0x3FD0];
	(tm) =	ssettm $0x1  }
0x91: {  	s18 =	sld [smem:$0x3FFB];
	_ =	sdelay $0x3  }
0x92: {  	_ =	strace s18  }
0x93: {  	s3 =	sld [smem:$0x3FFC];
	_ =	sdelay $0x3  }
0x94: {  	_ =	strace s3  }
0x95: {  	s3 =	sld [smem:$0x3FFD];
	_ =	sdelay $0x3  }
0x96: {  	_ =	strace s3  }
0x97: {  	_ =	strace $0x8FFFFFFF  }
0x98: {  	s19 =	sld [smem:$0x3FDB];
	_ =	sdelay $0x1  }
0x99: {  	s4 =	simm.s32 $_scs_section_size  }
0x9a: {  	s5 =	simm.s32 $_size__tile_overlayer_lowered;
	s6 =	simm.s32 $_tile_overlayer_lowered  }
0x9b: {  	s22 =	simm.s32 $0x1BFF;
	s21 =	sshll.u32 s6, $0x1;
	s3 =	sadd.s32 s4, s19  }
0x9c: {  	s7 =	simm.s32 $0x0;
	s20 =	sshll.u32 s5, $0x1;
	s5 =	sadd.s32 s21, s3  }
0x9d: {  	[timem:s7], [sflag:s22] =	dma.local [hbm:s5], s20  }
0x9e: {  	_ =	swait.ge [sflag:s22], s20  }
0x9f: {  	s4 =	ssub.s32 $0x0, s20;
	[sflag:s22] =	ssyncset.done $0x0  }
0xa0: {  	[sflag:s22] =	ssyncadd.s32 s4;
	_ =	sdelay $0x1  }
0xa1: {  	s23 =	simm.s32 $0x1B8B  }
0xa2: {  	_ =	swait.ge [sflag:s23], $0x1  }
0xa3: {  	[sflag:s23] =	ssyncset.done $0x0  }
0xa4: {  	s25 =	simm.s32 $0x1B8E;
	s24 =	sld [smem:$0x3FFE];
	[sflag:s23] =	ssyncadd.s32 $0xFFFFFFFF  }
0xa5: {  	s26 =	simm.s32 $execute0_lowered;
	[smem:$0x3FD2] =	sst s25  }
0xa6: {  	s5 =	sshll.u32 s26, $0x1;
	_ =	strace $0x80000046;
	[dreg:$0x1] =	wrdreg $0xFFFFFFFF  }
0xa7: {  	s28 =	simm.s32 $_size_execute0_lowered;
	s3 =	sadd.s32 s3, s5;
	[dreg:$0x0] =	wrdreg $0x0  }
0xa8: {  	s5 =	sshll.u32 s28, $0x1;
	[dreg:$0x2] =	wrdreg s3  }
0xa9: {  	[dreg:$0x3] =	wrdreg s5  }
0xaa: {  	[dreg:$0x4] =	wrdreg $0xC0  }
0xab: {  	_ =	task [dreg:s7], $0x5FFFF  }
0xac: {  	[dreg:$0x1] =	wrdreg $0xFFFFFFFF  }
0xad: {  	[dreg:$0x0] =	wrdreg $0x60  }
0xae: {  	[dreg:$0x2] =	wrdreg s2  }
0xaf: {  	[dreg:$0x3] =	wrdreg s24  }
0xb0: {  	[dreg:$0x4] =	wrdreg $0x9  }
0xb1: {  	_ =	task.clear_ibuf [dreg:s7], $0x5FFFF;
	_ =	strace $0x90000046  }
0xb2: {  	s29 =	simm.s32 $0x9;
	_ =	strace $0x80000048  }
0xb3: {  	_ =	swait.ge [sflag:s29], $0x1  }
0xb4: {  	[sflag:s29] =	ssyncadd.s32 $0xFFFFFFFF  }
0xb5: {  	_ =	strace $0x90000048  }
0xb6: {  	_ =	sfence  }
0xb7: {  	s30 =	sld [smem:$0x0];
	_ =	sdelay $0x2  }
0xb8: {  	s31 =	sshll.u32 s1, $0xD;
	s1 =	sshrl.u32 s1, $0x2  }
0xb9: {  	s3 =	sand.u32 $0x4000, s31;
	s1 =	sadd.s32 s1, s30  }
0xba: {  	s0 =	sor.u32 s3, s0;
	s1 =	sshll.u32 s1, $0x11  }
0xbb: {  	s0 =	sor.u32 s1, s0  }
0xbc: {  	s0 =	sadd.s32 $0x8F2B, s0  }
0xbd: {  	[sflag:s0] =	ssyncadd.remote.s32 $0x1  }
0xbe: {  	_ =	sfence.sel $0xFFFF  }
0xbf: {  	[dreg:$0x0] =	wrdreg $0xFFFFFFFF;
	(pc) =	sbr.abs _section_cstart, $3  }
0xc0: {  	[dreg:$0x1] =	wrdreg $0xFFFFFFFF  }
0xc1: {  	_ =	task.clear_ibuf [dreg:s7], $0x2FFFF;
	_ =	strace $0x9FFFFFFF  }
0xc2: {  	(tm) =	ssettm $0x7FFFFFFF  }
0xc3: {  	_ =	shalt  }
tec
execute0_lowered:
.L_overlay_start_1:
0x0: {  	(tag) =	ssettag $0x1  }
0x1: {  	s0 =	srdreg.scid  }
0x2: {  	s5 =	rddreg [dreg:$0x0];
	s3 =	sand.u32 $0x1, s0  }
0x3: {  	s4 =	rddreg [dreg:$0x1];
	s0 =	stileid.u32;
	s1 =	sshll.u32 s3, $0x4  }
0x4: {  	s2 =	simm.s32 $0x0;
	s10 =	simm.s32 $0x1;
	s6 =	sor.u32 s0, s1  }
0x5: {  	s11 =	simm.s32 $0x2780;
	s12 =	simm.s32 $0x0;
	s6 =	sshrl.u32 s6, $0x3  }
0x6: {  	[smem:$0x7FF] =	sst s2;
	s7 =	sshll.u32 s0, $0x7;
	s6 =	smul.u32 $0x13C00, s6  }
0x7: {  	s8 =	sadd.s32 $0x2600, s4;
	s3 =	ssub.s32 $0x2, s3;
	s7 =	sand.u32 $0x380, s7  }
0x8: {  	s1 =	rddreg [dreg:$0x2];
	_ =	strace $0x80000047;
	s29 =	sor.u32 s7, s6  }
0x9: {  	s30 =	sshrl.u32 s3, $0x1;
	s7 =	sshrl.u32 s29, $0x3;
	s4 =	sadd.s32 $0x4F000, s29  }
0xa: {  	s9 =	ssub.s32 s3, s30;
	s3 =	sadd.s32 s5, s7;
	s31 =	sshrl.u32 s4, $0x3  }
0xb: {  	s4 =	sadd.s32 s8, s7;
	s7 =	smax.u32 s9, $0x1;
	s9 =	simm.s32 $0x400  }
0xc: {  	v0 =	vimm.f32 $0.0e+00;
	v1 =	vimm.f32 $1.000000000e+00;
	s5 =	sadd.s32 s5, s31;
	s6 =	sadd.s32 s8, s31;
	s8 =	simm.s32 $0x80  }
.LBB2_1:
0xd: {  	[tilespmem:s2], [sflag:$0x1] =	stream.strided.gather [hbm4b:s3+s8], $0x2780, s9, s8, $0x38;
	[tilespmem:$0x4F00] =	vst v63  }
0xe: {  	_ =	swait.ge [sflag:s10], $0x2780  }
0xf: {  	[sflag:s10] =	ssyncset.done $0x0  }
0x10: {  	s14 =	simm.s32 $0x140;
	s13 =	simm.s32 $0x0;
	[sflag:s10] =	ssyncadd.s32 $0xFFFFD880  }
.LBB2_2:
0x11: {  	p0 =	sne.s32 s14, $0x9B00;
	[tilespmem:s13+$0x27C0] =	vst v0;
	s15 =	smov.u32 s14;
	s14 =	sadd.s32 $0x140, s14  }
.Ltmp0:
0x12: {  	[tilespmem:s13+$0x27B0] =	vst v0;
	(pc) =	sbr.rel @p0 .LBB2_2-.Ltmp0, $4  }
0x13: {  	[tilespmem:s13+$0x27A0] =	vst v0  }
0x14: {  	[tilespmem:s13+$0x2780] =	vst v0  }
0x15: {  	[tilespmem:s13+$0x2790] =	vst v0  }
0x16: {  	s13 =	sshra.s32 s15, $0x2  }
0x17: {  	[tilespmem:s13+$0x27C0] =	vst v0  }
0x18: {  	[tilespmem:s13+$0x27B0] =	vst v0  }
0x19: {  	[tilespmem:s13+$0x27A0] =	vst v0  }
0x1a: {  	[tilespmem:s13+$0x2780] =	vst v0  }
0x1b: {  	[tilespmem:s13+$0x2790] =	vst v0;
	s13 =	simm.s32 $0x0  }
.LBB2_4:
0x1c: {  	s14 =	sshra.s32 s13, $0x2  }
0x1d: {  	v2 =	vld [tilespmem:s14+$0x0];
	_ =	sdelay $0x7  }
0x1e: {  	[tilespmem:v2+s11+$0x0] =	vst.idx.add.f32.msk $0xffff, v1  }
0x1f: {  	v2 =	vld [tilespmem:s14+$0x10];
	_ =	sdelay $0x7  }
0x20: {  	[tilespmem:v2+s11+$0x0] =	vst.idx.add.f32.msk $0xffff, v1  }
0x21: {  	v2 =	vld [tilespmem:s14+$0x20];
	_ =	sdelay $0x7  }
0x22: {  	[tilespmem:v2+s11+$0x0] =	vst.idx.add.f32.msk $0xffff, v1  }
0x23: {  	v2 =	vld [tilespmem:s14+$0x30];
	_ =	sdelay $0x7  }
0x24: {  	[tilespmem:v2+s11+$0x0] =	vst.idx.add.f32.msk $0xffff, v1  }
0x25: {  	v2 =	vld [tilespmem:s14+$0x40];
	_ =	sdelay $0x2  }
0x26: {  	p0 =	sne.s32 s13, $0x9B00  }
.Ltmp1:
0x27: {  	_ = 	snop;
	(pc) =	sbr.rel @p0 .LBB2_4-.Ltmp1, $2  }
0x28: {  	_ =	sdelay $0x2  }
0x29: {  	s13 =	sadd.s32 $0x140, s13;
	[tilespmem:v2+s11+$0x0] =	vst.idx.add.f32.msk $0xffff, v1  }
0x2a: {  	[hbm4b:s4+s8] =	stream.strided.scatter [tilespmem:s11], [sflag:$0x1], $0x2780, s9, s8, $0x38;
	[tilespmem:$0x4F00] =	vst v63  }
0x2b: {  	_ =	swait.ge [sflag:s10], $0x2780  }
0x2c: {  	[sflag:s10] =	ssyncset.done $0x0  }
0x2d: {  	s13 =	simm.s32 $0x0;
	[sflag:s10] =	ssyncadd.s32 $0xFFFFD880  }
0x2e: {  	[tilespmem:s13], [sflag:$0x1] =	stream.strided.gather [hbm4b:s5+s8], $0x2780, s9, s8, $0x38;
	[tilespmem:$0x4F00] =	vst v63  }
0x2f: {  	_ =	swait.ge [sflag:s10], $0x2780  }
0x30: {  	[sflag:s10] =	ssyncset.done $0x0  }
0x31: {  	s15 =	simm.s32 $0x140;
	s14 =	simm.s32 $0x0;
	[sflag:s10] =	ssyncadd.s32 $0xFFFFD880  }
.LBB2_6:
0x32: {  	p0 =	sne.s32 s15, $0x9B00;
	[tilespmem:s14+$0x27C0] =	vst v0;
	s16 =	smov.u32 s15;
	s15 =	sadd.s32 $0x140, s15  }
.Ltmp2:
0x33: {  	[tilespmem:s14+$0x27B0] =	vst v0;
	(pc) =	sbr.rel @p0 .LBB2_6-.Ltmp2, $4  }
0x34: {  	[tilespmem:s14+$0x27A0] =	vst v0  }
0x35: {  	[tilespmem:s14+$0x2780] =	vst v0  }
0x36: {  	[tilespmem:s14+$0x2790] =	vst v0  }
0x37: {  	s14 =	sshra.s32 s16, $0x2  }
0x38: {  	[tilespmem:s14+$0x27C0] =	vst v0  }
0x39: {  	[tilespmem:s14+$0x27B0] =	vst v0  }
0x3a: {  	[tilespmem:s14+$0x27A0] =	vst v0  }
0x3b: {  	[tilespmem:s14+$0x2780] =	vst v0  }
0x3c: {  	[tilespmem:s14+$0x2790] =	vst v0  }
.LBB2_8:
0x3d: {  	s14 =	sshra.s32 s13, $0x2  }
0x3e: {  	v2 =	vld [tilespmem:s14+$0x0];
	_ =	sdelay $0x7  }
0x3f: {  	[tilespmem:v2+s11+$0x0] =	vst.idx.add.f32.msk $0xffff, v1  }
0x40: {  	v2 =	vld [tilespmem:s14+$0x10];
	_ =	sdelay $0x7  }
0x41: {  	[tilespmem:v2+s11+$0x0] =	vst.idx.add.f32.msk $0xffff, v1  }
0x42: {  	v2 =	vld [tilespmem:s14+$0x20];
	_ =	sdelay $0x7  }
0x43: {  	[tilespmem:v2+s11+$0x0] =	vst.idx.add.f32.msk $0xffff, v1  }
0x44: {  	v2 =	vld [tilespmem:s14+$0x30];
	_ =	sdelay $0x7  }
0x45: {  	[tilespmem:v2+s11+$0x0] =	vst.idx.add.f32.msk $0xffff, v1  }
0x46: {  	v2 =	vld [tilespmem:s14+$0x40];
	_ =	sdelay $0x2  }
0x47: {  	p0 =	sne.s32 s13, $0x9B00  }
.Ltmp3:
0x48: {  	_ = 	snop;
	(pc) =	sbr.rel @p0 .LBB2_8-.Ltmp3, $2  }
0x49: {  	_ =	sdelay $0x2  }
0x4a: {  	s13 =	sadd.s32 $0x140, s13;
	[tilespmem:v2+s11+$0x0] =	vst.idx.add.f32.msk $0xffff, v1  }
0x4b: {  	s12 =	sadd.s32 $0x1, s12  }
0x4c: {  	p0 =	sne.s32 s12, s7  }
.Ltmp4:
0x4d: {  	_ = 	snop;
	(pc) =	sbr.rel @p0 .LBB2_1-.Ltmp4, $4  }
0x4e: {  	[hbm4b:s6+s8] =	stream.strided.scatter [tilespmem:s11], [sflag:$0x1], $0x2780, s9, s8, $0x38;
	[tilespmem:$0x4F00] =	vst v63  }
0x4f: {  	_ =	swait.ge [sflag:s10], $0x2780  }
0x50: {  	[sflag:s10] =	ssyncset.done $0x0  }
0x51: {  	[sflag:s10] =	ssyncadd.s32 $0xFFFFD880  }
0x52: {  	_ =	sfence.sel $0x180000  }
0x53: {  	[bflag:$0x0] =	sbarrier.arrive $0xFFFF  }
0x54: {  	p0 =	sne.s32 s0, $0x0;
	_ =	strace $0x90000047  }
0x55: {  	s0 =	sadd.s32 @!p0 $0x100000, s1;
	[bflag:$0x2] =	sbarrier.arrive $0xFFFF  }
0x56: {  	[sflag:s0] =	ssyncadd.tile.s32 @!p0 $0x1;
	_ =	shalt  }
.Lfunc_end2:
_tile_overlayer_lowered:
.L_overlay_start_2:
0x57: {  	(tag) =	ssettag $0x2  }
0x58: {  	s0 =	rddreg [dreg:$0x0];
	s2 =	stileid.u32  }
0x59: {  	s1 =	rddreg [dreg:$0x1];
	p0 =	sne.s32 s2, $0x0  }
0x5a: {  	s3 =	rddreg [dreg:$0x2];
	[bflag:$0x3] =	sbarrier.arrive $0xFFFF;
	s2 =	simm.s32 @!p0 $0x1C01  }
0x5b: {  	[timem:s3], [sflag:s2] =	dma.local @!p0 [hbm:s0], s1  }
0x5c: {  	s0 =	simm.s32 @!p0 $0x1  }
0x5d: {  	_ =	swait.ge @!p0 [sflag:s0], s1  }
0x5e: {  	s1 =	ssub.s32 @!p0 $0x0, s1;
	[sflag:s0] =	ssyncset.done @!p0 $0x0  }
0x5f: {  	[sflag:s0] =	ssyncadd.s32 @!p0 s1  }
0x60: {  	[bflag:$0x3] =	sbarrier.arrive $0xFFFF  }
0x61: {  	_ =	shalt  }

</sc_bundles>
